<compile_context>
chip_gen: v7x
topology: tpu7x:2x2x1
jax: 0.10.2.dev20260603
libtpu: 0.0.44.dev20260713+nightly
codegen_flags: <defaults>
</compile_context>

<pallas_src>
import functools

import jax
import jax.numpy as jnp
from jax import lax
from jax.experimental import pallas as pl
from jax.experimental.pallas import tpu as pltpu
from jax.experimental.pallas import tpu_sc as plsc

_VOCAB = 1000
_HIDDEN = 128

_INFO = plsc.get_sparse_core_info()
_NC, _NS = _INFO.num_cores, _INFO.num_subcores
_NW = _NC * _NS


def _transform_body(e_ref, w_ref, b_ref, o_ref):
    o_ref[...] = (
        lax.dot_general(
            e_ref[...], w_ref[...],
            (((1,), (1,)), ((), ())),
            preferred_element_type=jnp.float32,
        )
        + b_ref[...]
    )


def _transform_table(embedding_table, W, b):
    return pl.pallas_call(
        _transform_body,
        out_shape=jax.ShapeDtypeStruct((_VOCAB, _HIDDEN), jnp.float32),
    )(embedding_table, W, b.reshape(1, _HIDDEN))


_NBUF = 5
_DEPTH = 3


def _make_gather(batch, seq):
    bpw = batch // _NW
    n_chunks = seq
    assert n_chunks % _NBUF == 0 and n_chunks >= _NBUF
    mesh = plsc.VectorSubcoreMesh(core_axis_name="c", subcore_axis_name="s")

    @functools.partial(
        pl.kernel,
        out_type=jax.ShapeDtypeStruct((seq, batch, _HIDDEN), jnp.float32),
        mesh=mesh,
        scratch_types=[
            pltpu.VMEM((n_chunks, bpw), jnp.int32),
            pltpu.VMEM((_NBUF, bpw, _HIDDEN), jnp.float32),
            pltpu.VMEM_SHARED((_VOCAB, _HIDDEN), jnp.float32),
            pltpu.SemaphoreType.DMA((_NBUF,)),
            pltpu.SemaphoreType.DMA((_NBUF,)),
        ],
    )
    def gather(idx_hbm, table_hbm, out_hbm, idx_v, rows_v, table_sh,
               gsems, ssems):
        wid = lax.axis_index("s") * _NC + lax.axis_index("c")
        base = wid * bpw
        @pl.when(lax.axis_index("s") == 0)
        def _():
            pltpu.sync_copy(table_hbm, table_sh)

        pltpu.sync_copy(idx_hbm.at[:, pl.ds(base, bpw)], idx_v)
        plsc.subcore_barrier()

        def start_gather(j, b):
            pltpu.async_copy(
                table_sh.at[idx_v.at[j]], rows_v.at[b], gsems.at[b]
            )

        for j in range(_DEPTH):
            start_gather(j, j)

        def outer(g, carry):
            for b in range(_NBUF):
                k = g * _NBUF + b
                pltpu.make_async_copy(
                    table_sh.at[idx_v.at[k]], rows_v.at[b], gsems.at[b]
                ).wait()
                pltpu.async_copy(
                    rows_v.at[b],
                    out_hbm.at[k, pl.ds(base, bpw)],
                    ssems.at[b],
                )
                b2 = (b + _DEPTH) % _NBUF
                j2 = k + _DEPTH

                @pl.when(j2 < n_chunks)
                def _():
                    @pl.when(j2 >= _NBUF)
                    def _():
                        pltpu.make_async_copy(
                            rows_v.at[b2],
                            out_hbm.at[0, pl.ds(base, bpw)],
                            ssems.at[b2],
                        ).wait()

                    start_gather(j2, b2)
            return carry

        lax.fori_loop(0, n_chunks // _NBUF, outer, 0)

        for b in range(_NBUF):
            pltpu.make_async_copy(
                rows_v.at[b], out_hbm.at[0, pl.ds(base, bpw)], ssems.at[b]
            ).wait()

    return gather


_gather_4096_50 = _make_gather(4096, 50)


def kernel(input_ids, embedding_table, W, b):
    table = _transform_table(embedding_table, W, b)
    idx_t = input_ids.astype(jnp.int32).T
    out_sbh = _gather_4096_50(idx_t, table)
    return out_sbh.transpose(1, 0, 2)

# --- scband reference (transcript-rebuilt; emitter-appended) ---
"""Pipeline reference for scband-mock-backbone-1580547964935 (READ-ONLY COPY).

The authoritative reference and input builder live on the scoring server;
editing this copy changes nothing except your own understanding.
"""

import jax, jax.numpy as jnp
import numpy as np

VOCAB = 1000
HIDDEN = 128
BATCH = 4096
SEQ = 50

def setup_inputs(seed: int = 0) -> dict:
    key = jax.random.key(seed)
    k_ids, k_emb, k_w, k_b = jax.random.split(key, 4)
    input_ids = jax.random.randint(k_ids, (BATCH, SEQ), 0, VOCAB, dtype=jnp.int64 if jax.config.jax_enable_x64 else jnp.int32)
    embedding_table = jax.random.normal(k_emb, (VOCAB, HIDDEN), dtype=jnp.float32) * 0.02
    # nn.Linear(hidden, hidden): weight [out, in], bias [out]
    W = jax.random.normal(k_w, (HIDDEN, HIDDEN), dtype=jnp.float32) * (1.0 / np.sqrt(HIDDEN))
    b = jax.random.normal(k_b, (HIDDEN,), dtype=jnp.float32) * 0.01
    return {"input_ids": input_ids, "embedding_table": embedding_table, "W": W, "b": b}

def reference(input_ids, embedding_table, W, b):
    # forward: self.linear(self.embedding(input_ids))
    emb = jnp.take(embedding_table, input_ids, axis=0)  # [B, S, H] gather
    out = emb @ W.T + b                                  # torch Linear: x @ W^T + b
    return out

if __name__ == "__main__":
    import jax
    _d = setup_inputs()
    print(jax.jit(kernel)(*tuple(_d.values())))

</pallas_src>

<mosaic_0001>
#map = affine_map<(d0, d1) -> (0, 0)>
#map1 = affine_map<(d0, d1) -> (0, 0, 0)>
module attributes {stable_mosaic.version = 14 : i64} {
  func.func @gather(%arg0: i32, %arg1: i32, %arg2: memref<50x4096xi32, #tpu.memory_space<hbm>>, %arg3: memref<1000x128xf32, #tpu.memory_space<hbm>>, %arg4: memref<50x4096x128xf32, #tpu.memory_space<hbm>>, %arg5: memref<50x128xi32, #tpu.memory_space<vmem>>, %arg6: memref<5x128x128xf32, #tpu.memory_space<vmem>>, %arg7: memref<1000x128xf32, #tpu.memory_space<vmem_shared>>, %arg8: memref<5x!tpu.dma_semaphore, #tpu.memory_space<semaphore_mem>>, %arg9: memref<5x!tpu.dma_semaphore, #tpu.memory_space<semaphore_mem>>) attributes {dimension_semantics = [#tpu.dimension_semantics<core_parallel>, #tpu.dimension_semantics<subcore_parallel>], iteration_bounds = array<i64: 2, 16>, scalar_prefetch = 0 : i64, scratch_operands = 5 : i64, tpu.core_type = #tpu.core_type<sc_vector_subcore>, window_params = [{transform_indices = #map}, {transform_indices = #map}, {transform_indices = #map1}]} {
    %mul3A = arith.constant 2 : i32
    %mul3A_0 = arith.muli %arg1, %mul3A : i32
    %add3A = arith.addi %mul3A_0, %arg0 : i32
    %mul3A_1 = arith.constant 128 : i32
    %mul3A_2 = arith.muli %add3A, %mul3A_1 : i32
    %eq3A = arith.constant 0 : i32
    %eq3A_3 = arith.cmpi eq, %arg1, %eq3A : i32
    %convert_element_type3A = arith.extui %eq3A_3 : i1 to i32
    %cond3A = arith.constant 0 : i32
    %cond3A_4 = arith.cmpi ne, %convert_element_type3A, %cond3A : i32
    scf.if %cond3A_4 {
      "tpu.region"() ({
        %run_scoped3A = tpu.sem_alloc : memref<!tpu.dma_semaphore, #tpu.memory_space<semaphore_mem>>
        tpu.enqueue_dma source(%arg3 : memref<1000x128xf32, #tpu.memory_space<hbm>>) target(%arg7 : memref<1000x128xf32, #tpu.memory_space<vmem_shared>>) target_semaphore(%run_scoped3A : memref<!tpu.dma_semaphore, #tpu.memory_space<semaphore_mem>>)
        tpu.wait_dma2 semaphore(%run_scoped3A : memref<!tpu.dma_semaphore, #tpu.memory_space<semaphore_mem>>) src(%arg3 : memref<1000x128xf32, #tpu.memory_space<hbm>>) dst(%arg7 : memref<1000x128xf32, #tpu.memory_space<vmem_shared>>)
        tpu.yield
      }) : () -> ()
    } else {
    }
    "tpu.region"() ({
      %run_scoped3A = tpu.sem_alloc : memref<!tpu.dma_semaphore, #tpu.memory_space<semaphore_mem>>
      %dma_start3A_148 = arith.constant 0 : i32
      %dma_start3A_149 = tpu.memref_slice %arg2[%dma_start3A_148, %mul3A_2] : memref<50x4096xi32, #tpu.memory_space<hbm>> -> memref<50x128xi32, #tpu.memory_space<hbm>>
      %dma_start3A_150 = arith.constant 0 : i32
      %dma_start3A_151 = tpu.memref_slice %arg2[%dma_start3A_150, %mul3A_2] : memref<50x4096xi32, #tpu.memory_space<hbm>> -> memref<50x128xi32, #tpu.memory_space<hbm>>
      tpu.enqueue_dma source(%dma_start3A_151 : memref<50x128xi32, #tpu.memory_space<hbm>>) target(%arg5 : memref<50x128xi32, #tpu.memory_space<vmem>>) target_semaphore(%run_scoped3A : memref<!tpu.dma_semaphore, #tpu.memory_space<semaphore_mem>>)
      %dma_wait3A_152 = arith.constant 0 : i32
      %dma_wait3A_153 = tpu.memref_slice %arg2[%dma_wait3A_152, %mul3A_2] : memref<50x4096xi32, #tpu.memory_space<hbm>> -> memref<50x128xi32, #tpu.memory_space<hbm>>
      %dma_wait3A_154 = arith.constant 0 : i32
      %dma_wait3A_155 = tpu.memref_slice %arg2[%dma_wait3A_154, %mul3A_2] : memref<50x4096xi32, #tpu.memory_space<hbm>> -> memref<50x128xi32, #tpu.memory_space<hbm>>
      tpu.wait_dma2 semaphore(%run_scoped3A : memref<!tpu.dma_semaphore, #tpu.memory_space<semaphore_mem>>) src(%dma_wait3A_155 : memref<50x128xi32, #tpu.memory_space<hbm>>) dst(%arg5 : memref<50x128xi32, #tpu.memory_space<vmem>>)
      tpu.yield
    }) : () -> ()
    %barrier3A = arith.constant 0 : index
    tpu.barrier barrier_id(%barrier3A)
    %dma_start3A = arith.constant 0 : i32
    %dma_start3A_5 = arith.constant 0 : i32
    %dma_start3A_6 = arith.constant 0 : i32
    %dma_start3A_7 = arith.constant 0 : i32
    %dma_start3A_8 = arith.constant 0 : i32
    %dma_start3A_9 = tpu.memref_slice %arg6[%dma_start3A_5, %dma_start3A_7, %dma_start3A_8] : memref<5x128x128xf32, #tpu.memory_space<vmem>> -> memref<1x128x128xf32, #tpu.memory_space<vmem>>
    %dma_start3A_10 = tpu.memref_squeeze %dma_start3A_9 : memref<1x128x128xf32, #tpu.memory_space<vmem>> -> memref<128x128xf32, #tpu.memory_space<vmem>>
    %dma_start3A_11 = arith.constant 0 : i32
    %dma_start3A_12 = tpu.memref_slice %arg5[%dma_start3A, %dma_start3A_11] : memref<50x128xi32, #tpu.memory_space<vmem>> -> memref<1x128xi32, #tpu.memory_space<vmem>>
    %dma_start3A_13 = tpu.memref_squeeze %dma_start3A_12 : memref<1x128xi32, #tpu.memory_space<vmem>> -> memref<128xi32, #tpu.memory_space<vmem>>
    %dma_start3A_14 = arith.constant 0 : i32
    %dma_start3A_15 = arith.constant 0 : i32
    %dma_start3A_16 = tpu.memref_slice %arg7[%dma_start3A_14, %dma_start3A_15] : memref<1000x128xf32, #tpu.memory_space<vmem_shared>> -> memref<1000x128xf32, #tpu.memory_space<vmem_shared>>
    %dma_start3A_17 = tpu.memref_slice %arg8[%dma_start3A_6] : memref<5x!tpu.dma_semaphore, #tpu.memory_space<semaphore_mem>> -> memref<1x!tpu.dma_semaphore, #tpu.memory_space<semaphore_mem>>
    %dma_start3A_18 = tpu.memref_squeeze %dma_start3A_17 : memref<1x!tpu.dma_semaphore, #tpu.memory_space<semaphore_mem>> -> memref<!tpu.dma_semaphore, #tpu.memory_space<semaphore_mem>>
    tpu.enqueue_indirect_dma source(%dma_start3A_16 : memref<1000x128xf32, #tpu.memory_space<vmem_shared>>) target(%dma_start3A_10 : memref<128x128xf32, #tpu.memory_space<vmem>>) offsets(%dma_start3A_13 : memref<128xi32, #tpu.memory_space<vmem>>) semaphore(%dma_start3A_18 : memref<!tpu.dma_semaphore, #tpu.memory_space<semaphore_mem>>)
    %dma_start3A_19 = arith.constant 1 : i32
    %dma_start3A_20 = arith.constant 1 : i32
    %dma_start3A_21 = arith.constant 1 : i32
    %dma_start3A_22 = arith.constant 0 : i32
    %dma_start3A_23 = arith.constant 0 : i32
    %dma_start3A_24 = tpu.memref_slice %arg6[%dma_start3A_20, %dma_start3A_22, %dma_start3A_23] : memref<5x128x128xf32, #tpu.memory_space<vmem>> -> memref<1x128x128xf32, #tpu.memory_space<vmem>>
    %dma_start3A_25 = tpu.memref_squeeze %dma_start3A_24 : memref<1x128x128xf32, #tpu.memory_space<vmem>> -> memref<128x128xf32, #tpu.memory_space<vmem>>
    %dma_start3A_26 = arith.constant 0 : i32
    %dma_start3A_27 = tpu.memref_slice %arg5[%dma_start3A_19, %dma_start3A_26] : memref<50x128xi32, #tpu.memory_space<vmem>> -> memref<1x128xi32, #tpu.memory_space<vmem>>
    %dma_start3A_28 = tpu.memref_squeeze %dma_start3A_27 : memref<1x128xi32, #tpu.memory_space<vmem>> -> memref<128xi32, #tpu.memory_space<vmem>>
    %dma_start3A_29 = arith.constant 0 : i32
    %dma_start3A_30 = arith.constant 0 : i32
    %dma_start3A_31 = tpu.memref_slice %arg7[%dma_start3A_29, %dma_start3A_30] : memref<1000x128xf32, #tpu.memory_space<vmem_shared>> -> memref<1000x128xf32, #tpu.memory_space<vmem_shared>>
    %dma_start3A_32 = tpu.memref_slice %arg8[%dma_start3A_21] : memref<5x!tpu.dma_semaphore, #tpu.memory_space<semaphore_mem>> -> memref<1x!tpu.dma_semaphore, #tpu.memory_space<semaphore_mem>>
    %dma_start3A_33 = tpu.memref_squeeze %dma_start3A_32 : memref<1x!tpu.dma_semaphore, #tpu.memory_space<semaphore_mem>> -> memref<!tpu.dma_semaphore, #tpu.memory_space<semaphore_mem>>
    tpu.enqueue_indirect_dma source(%dma_start3A_31 : memref<1000x128xf32, #tpu.memory_space<vmem_shared>>) target(%dma_start3A_25 : memref<128x128xf32, #tpu.memory_space<vmem>>) offsets(%dma_start3A_28 : memref<128xi32, #tpu.memory_space<vmem>>) semaphore(%dma_start3A_33 : memref<!tpu.dma_semaphore, #tpu.memory_space<semaphore_mem>>)
    %dma_start3A_34 = arith.constant 2 : i32
    %dma_start3A_35 = arith.constant 2 : i32
    %dma_start3A_36 = arith.constant 2 : i32
    %dma_start3A_37 = arith.constant 0 : i32
    %dma_start3A_38 = arith.constant 0 : i32
    %dma_start3A_39 = tpu.memref_slice %arg6[%dma_start3A_35, %dma_start3A_37, %dma_start3A_38] : memref<5x128x128xf32, #tpu.memory_space<vmem>> -> memref<1x128x128xf32, #tpu.memory_space<vmem>>
    %dma_start3A_40 = tpu.memref_squeeze %dma_start3A_39 : memref<1x128x128xf32, #tpu.memory_space<vmem>> -> memref<128x128xf32, #tpu.memory_space<vmem>>
    %dma_start3A_41 = arith.constant 0 : i32
    %dma_start3A_42 = tpu.memref_slice %arg5[%dma_start3A_34, %dma_start3A_41] : memref<50x128xi32, #tpu.memory_space<vmem>> -> memref<1x128xi32, #tpu.memory_space<vmem>>
    %dma_start3A_43 = tpu.memref_squeeze %dma_start3A_42 : memref<1x128xi32, #tpu.memory_space<vmem>> -> memref<128xi32, #tpu.memory_space<vmem>>
    %dma_start3A_44 = arith.constant 0 : i32
    %dma_start3A_45 = arith.constant 0 : i32
    %dma_start3A_46 = tpu.memref_slice %arg7[%dma_start3A_44, %dma_start3A_45] : memref<1000x128xf32, #tpu.memory_space<vmem_shared>> -> memref<1000x128xf32, #tpu.memory_space<vmem_shared>>
    %dma_start3A_47 = tpu.memref_slice %arg8[%dma_start3A_36] : memref<5x!tpu.dma_semaphore, #tpu.memory_space<semaphore_mem>> -> memref<1x!tpu.dma_semaphore, #tpu.memory_space<semaphore_mem>>
    %dma_start3A_48 = tpu.memref_squeeze %dma_start3A_47 : memref<1x!tpu.dma_semaphore, #tpu.memory_space<semaphore_mem>> -> memref<!tpu.dma_semaphore, #tpu.memory_space<semaphore_mem>>
    tpu.enqueue_indirect_dma source(%dma_start3A_46 : memref<1000x128xf32, #tpu.memory_space<vmem_shared>>) target(%dma_start3A_40 : memref<128x128xf32, #tpu.memory_space<vmem>>) offsets(%dma_start3A_43 : memref<128xi32, #tpu.memory_space<vmem>>) semaphore(%dma_start3A_48 : memref<!tpu.dma_semaphore, #tpu.memory_space<semaphore_mem>>)
    %scan3A = arith.constant 0 : i32
    %scan3A_49 = arith.constant 0 : i32
    %scan3A_50 = arith.constant 10 : i32
    %scan3A_51 = arith.addi %scan3A_49, %scan3A_50 : i32
    %scan3A_52 = arith.constant 1 : i32
    scf.for %scan3A_148 = %scan3A_49 to %scan3A_51 step %scan3A_52  : i32 {
      %mul3A_149 = arith.constant 5 : i32
      %mul3A_150 = arith.muli %scan3A_148, %mul3A_149 : i32
      %add3A_151 = arith.constant 0 : i32
      %add3A_152 = arith.addi %mul3A_150, %add3A_151 : i32
      %dma_wait3A_153 = arith.constant 0 : i32
      %dma_wait3A_154 = arith.constant 0 : i32
      %dma_wait3A_155 = arith.constant 0 : i32
      %dma_wait3A_156 = arith.constant 0 : i32
      %dma_wait3A_157 = tpu.memref_slice %arg6[%dma_wait3A_153, %dma_wait3A_155, %dma_wait3A_156] : memref<5x128x128xf32, #tpu.memory_space<vmem>> -> memref<1x128x128xf32, #tpu.memory_space<vmem>>
      %dma_wait3A_158 = tpu.memref_squeeze %dma_wait3A_157 : memref<1x128x128xf32, #tpu.memory_space<vmem>> -> memref<128x128xf32, #tpu.memory_space<vmem>>
      %dma_wait3A_159 = arith.constant 0 : i32
      %dma_wait3A_160 = tpu.memref_slice %arg5[%add3A_152, %dma_wait3A_159] : memref<50x128xi32, #tpu.memory_space<vmem>> -> memref<1x128xi32, #tpu.memory_space<vmem>>
      %dma_wait3A_161 = tpu.memref_squeeze %dma_wait3A_160 : memref<1x128xi32, #tpu.memory_space<vmem>> -> memref<128xi32, #tpu.memory_space<vmem>>
      %dma_wait3A_162 = arith.constant 0 : i32
      %dma_wait3A_163 = arith.constant 0 : i32
      %dma_wait3A_164 = tpu.memref_slice %arg7[%dma_wait3A_162, %dma_wait3A_163] : memref<1000x128xf32, #tpu.memory_space<vmem_shared>> -> memref<1000x128xf32, #tpu.memory_space<vmem_shared>>
      %dma_wait3A_165 = tpu.memref_slice %arg8[%dma_wait3A_154] : memref<5x!tpu.dma_semaphore, #tpu.memory_space<semaphore_mem>> -> memref<1x!tpu.dma_semaphore, #tpu.memory_space<semaphore_mem>>
      %dma_wait3A_166 = tpu.memref_squeeze %dma_wait3A_165 : memref<1x!tpu.dma_semaphore, #tpu.memory_space<semaphore_mem>> -> memref<!tpu.dma_semaphore, #tpu.memory_space<semaphore_mem>>
      tpu.wait_indirect_dma semaphore(%dma_wait3A_166 : memref<!tpu.dma_semaphore, #tpu.memory_space<semaphore_mem>>) src(%dma_wait3A_164 : memref<1000x128xf32, #tpu.memory_space<vmem_shared>>) dst(%dma_wait3A_158 : memref<128x128xf32, #tpu.memory_space<vmem>>)
      %dma_start3A_167 = arith.constant 0 : i32
      %dma_start3A_168 = arith.constant 0 : i32
      %dma_start3A_169 = arith.constant 0 : i32
      %dma_start3A_170 = arith.constant 0 : i32
      %dma_start3A_171 = tpu.memref_slice %arg6[%dma_start3A_167, %dma_start3A_169, %dma_start3A_170] : memref<5x128x128xf32, #tpu.memory_space<vmem>> -> memref<1x128x128xf32, #tpu.memory_space<vmem>>
      %dma_start3A_172 = tpu.memref_squeeze %dma_start3A_171 : memref<1x128x128xf32, #tpu.memory_space<vmem>> -> memref<128x128xf32, #tpu.memory_space<vmem>>
      %dma_start3A_173 = arith.constant 0 : i32
      %dma_start3A_174 = tpu.memref_slice %arg4[%add3A_152, %mul3A_2, %dma_start3A_173] : memref<50x4096x128xf32, #tpu.memory_space<hbm>> -> memref<1x128x128xf32, #tpu.memory_space<hbm>>
      %dma_start3A_175 = tpu.memref_squeeze %dma_start3A_174 : memref<1x128x128xf32, #tpu.memory_space<hbm>> -> memref<128x128xf32, #tpu.memory_space<hbm>>
      %dma_start3A_176 = tpu.memref_slice %arg9[%dma_start3A_168] : memref<5x!tpu.dma_semaphore, #tpu.memory_space<semaphore_mem>> -> memref<1x!tpu.dma_semaphore, #tpu.memory_space<semaphore_mem>>
      %dma_start3A_177 = tpu.memref_squeeze %dma_start3A_176 : memref<1x!tpu.dma_semaphore, #tpu.memory_space<semaphore_mem>> -> memref<!tpu.dma_semaphore, #tpu.memory_space<semaphore_mem>>
      %dma_start3A_178 = arith.constant 0 : i32
      %dma_start3A_179 = tpu.memref_slice %arg4[%add3A_152, %mul3A_2, %dma_start3A_178] : memref<50x4096x128xf32, #tpu.memory_space<hbm>> -> memref<1x128x128xf32, #tpu.memory_space<hbm>>
      %dma_start3A_180 = tpu.memref_squeeze %dma_start3A_179 : memref<1x128x128xf32, #tpu.memory_space<hbm>> -> memref<128x128xf32, #tpu.memory_space<hbm>>
      %dma_start3A_181 = arith.constant 0 : i32
      %dma_start3A_182 = arith.constant 0 : i32
      %dma_start3A_183 = tpu.memref_slice %arg6[%dma_start3A_167, %dma_start3A_181, %dma_start3A_182] : memref<5x128x128xf32, #tpu.memory_space<vmem>> -> memref<1x128x128xf32, #tpu.memory_space<vmem>>
      %dma_start3A_184 = tpu.memref_squeeze %dma_start3A_183 : memref<1x128x128xf32, #tpu.memory_space<vmem>> -> memref<128x128xf32, #tpu.memory_space<vmem>>
      tpu.enqueue_dma source(%dma_start3A_184 : memref<128x128xf32, #tpu.memory_space<vmem>>) target(%dma_start3A_180 : memref<128x128xf32, #tpu.memory_space<hbm>>) target_semaphore(%dma_start3A_177 : memref<!tpu.dma_semaphore, #tpu.memory_space<semaphore_mem>>)
      %add3A_185 = arith.constant 3 : i32
      %add3A_186 = arith.addi %add3A_152, %add3A_185 : i32
      %lt3A = arith.constant 50 : i32
      %lt3A_187 = arith.cmpi slt, %add3A_186, %lt3A : i32
      %convert_element_type3A_188 = arith.extui %lt3A_187 : i1 to i32
      %cond3A_189 = arith.constant 0 : i32
      %cond3A_190 = arith.cmpi ne, %convert_element_type3A_188, %cond3A_189 : i32
      scf.if %cond3A_190 {
        %ge3A = arith.constant 5 : i32
        %ge3A_363 = arith.cmpi sge, %add3A_186, %ge3A : i32
        %convert_element_type3A_364 = arith.extui %ge3A_363 : i1 to i32
        %cond3A_365 = arith.constant 0 : i32
        %cond3A_366 = arith.cmpi ne, %convert_element_type3A_364, %cond3A_365 : i32
        scf.if %cond3A_366 {
          %dma_wait3A_381 = arith.constant 3 : i32
          %dma_wait3A_382 = arith.constant 0 : i32
          %dma_wait3A_383 = arith.constant 3 : i32
          %dma_wait3A_384 = arith.constant 0 : i32
          %dma_wait3A_385 = arith.constant 0 : i32
          %dma_wait3A_386 = tpu.memref_slice %arg6[%dma_wait3A_381, %dma_wait3A_384, %dma_wait3A_385] : memref<5x128x128xf32, #tpu.memory_space<vmem>> -> memref<1x128x128xf32, #tpu.memory_space<vmem>>
          %dma_wait3A_387 = tpu.memref_squeeze %dma_wait3A_386 : memref<1x128x128xf32, #tpu.memory_space<vmem>> -> memref<128x128xf32, #tpu.memory_space<vmem>>
          %dma_wait3A_388 = arith.constant 0 : i32
          %dma_wait3A_389 = tpu.memref_slice %arg4[%dma_wait3A_382, %mul3A_2, %dma_wait3A_388] : memref<50x4096x128xf32, #tpu.memory_space<hbm>> -> memref<1x128x128xf32, #tpu.memory_space<hbm>>
          %dma_wait3A_390 = tpu.memref_squeeze %dma_wait3A_389 : memref<1x128x128xf32, #tpu.memory_space<hbm>> -> memref<128x128xf32, #tpu.memory_space<hbm>>
          %dma_wait3A_391 = tpu.memref_slice %arg9[%dma_wait3A_383] : memref<5x!tpu.dma_semaphore, #tpu.memory_space<semaphore_mem>> -> memref<1x!tpu.dma_semaphore, #tpu.memory_space<semaphore_mem>>
          %dma_wait3A_392 = tpu.memref_squeeze %dma_wait3A_391 : memref<1x!tpu.dma_semaphore, #tpu.memory_space<semaphore_mem>> -> memref<!tpu.dma_semaphore, #tpu.memory_space<semaphore_mem>>
          %dma_wait3A_393 = arith.constant 0 : i32
          %dma_wait3A_394 = tpu.memref_slice %arg4[%dma_wait3A_382, %mul3A_2, %dma_wait3A_393] : memref<50x4096x128xf32, #tpu.memory_space<hbm>> -> memref<1x128x128xf32, #tpu.memory_space<hbm>>
          %dma_wait3A_395 = tpu.memref_squeeze %dma_wait3A_394 : memref<1x128x128xf32, #tpu.memory_space<hbm>> -> memref<128x128xf32, #tpu.memory_space<hbm>>
          %dma_wait3A_396 = arith.constant 0 : i32
          %dma_wait3A_397 = arith.constant 0 : i32
          %dma_wait3A_398 = tpu.memref_slice %arg6[%dma_wait3A_381, %dma_wait3A_396, %dma_wait3A_397] : memref<5x128x128xf32, #tpu.memory_space<vmem>> -> memref<1x128x128xf32, #tpu.memory_space<vmem>>
          %dma_wait3A_399 = tpu.memref_squeeze %dma_wait3A_398 : memref<1x128x128xf32, #tpu.memory_space<vmem>> -> memref<128x128xf32, #tpu.memory_space<vmem>>
          tpu.wait_dma2 semaphore(%dma_wait3A_392 : memref<!tpu.dma_semaphore, #tpu.memory_space<semaphore_mem>>) src(%dma_wait3A_399 : memref<128x128xf32, #tpu.memory_space<vmem>>) dst(%dma_wait3A_395 : memref<128x128xf32, #tpu.memory_space<hbm>>)
        } else {
        }
        %dma_start3A_367 = arith.constant 3 : i32
        %dma_start3A_368 = arith.constant 3 : i32
        %dma_start3A_369 = arith.constant 0 : i32
        %dma_start3A_370 = arith.constant 0 : i32
        %dma_start3A_371 = tpu.memref_slice %arg6[%dma_start3A_367, %dma_start3A_369, %dma_start3A_370] : memref<5x128x128xf32, #tpu.memory_space<vmem>> -> memref<1x128x128xf32, #tpu.memory_space<vmem>>
        %dma_start3A_372 = tpu.memref_squeeze %dma_start3A_371 : memref<1x128x128xf32, #tpu.memory_space<vmem>> -> memref<128x128xf32, #tpu.memory_space<vmem>>
        %dma_start3A_373 = arith.constant 0 : i32
        %dma_start3A_374 = tpu.memref_slice %arg5[%add3A_186, %dma_start3A_373] : memref<50x128xi32, #tpu.memory_space<vmem>> -> memref<1x128xi32, #tpu.memory_space<vmem>>
        %dma_start3A_375 = tpu.memref_squeeze %dma_start3A_374 : memref<1x128xi32, #tpu.memory_space<vmem>> -> memref<128xi32, #tpu.memory_space<vmem>>
        %dma_start3A_376 = arith.constant 0 : i32
        %dma_start3A_377 = arith.constant 0 : i32
        %dma_start3A_378 = tpu.memref_slice %arg7[%dma_start3A_376, %dma_start3A_377] : memref<1000x128xf32, #tpu.memory_space<vmem_shared>> -> memref<1000x128xf32, #tpu.memory_space<vmem_shared>>
        %dma_start3A_379 = tpu.memref_slice %arg8[%dma_start3A_368] : memref<5x!tpu.dma_semaphore, #tpu.memory_space<semaphore_mem>> -> memref<1x!tpu.dma_semaphore, #tpu.memory_space<semaphore_mem>>
        %dma_start3A_380 = tpu.memref_squeeze %dma_start3A_379 : memref<1x!tpu.dma_semaphore, #tpu.memory_space<semaphore_mem>> -> memref<!tpu.dma_semaphore, #tpu.memory_space<semaphore_mem>>
        tpu.enqueue_indirect_dma source(%dma_start3A_378 : memref<1000x128xf32, #tpu.memory_space<vmem_shared>>) target(%dma_start3A_372 : memref<128x128xf32, #tpu.memory_space<vmem>>) offsets(%dma_start3A_375 : memref<128xi32, #tpu.memory_space<vmem>>) semaphore(%dma_start3A_380 : memref<!tpu.dma_semaphore, #tpu.memory_space<semaphore_mem>>)
      } else {
      }
      %mul3A_191 = arith.constant 5 : i32
      %mul3A_192 = arith.muli %scan3A_148, %mul3A_191 : i32
      %add3A_193 = arith.constant 1 : i32
      %add3A_194 = arith.addi %mul3A_192, %add3A_193 : i32
      %dma_wait3A_195 = arith.constant 1 : i32
      %dma_wait3A_196 = arith.constant 1 : i32
      %dma_wait3A_197 = arith.constant 0 : i32
      %dma_wait3A_198 = arith.constant 0 : i32
      %dma_wait3A_199 = tpu.memref_slice %arg6[%dma_wait3A_195, %dma_wait3A_197, %dma_wait3A_198] : memref<5x128x128xf32, #tpu.memory_space<vmem>> -> memref<1x128x128xf32, #tpu.memory_space<vmem>>
      %dma_wait3A_200 = tpu.memref_squeeze %dma_wait3A_199 : memref<1x128x128xf32, #tpu.memory_space<vmem>> -> memref<128x128xf32, #tpu.memory_space<vmem>>
      %dma_wait3A_201 = arith.constant 0 : i32
      %dma_wait3A_202 = tpu.memref_slice %arg5[%add3A_194, %dma_wait3A_201] : memref<50x128xi32, #tpu.memory_space<vmem>> -> memref<1x128xi32, #tpu.memory_space<vmem>>
      %dma_wait3A_203 = tpu.memref_squeeze %dma_wait3A_202 : memref<1x128xi32, #tpu.memory_space<vmem>> -> memref<128xi32, #tpu.memory_space<vmem>>
      %dma_wait3A_204 = arith.constant 0 : i32
      %dma_wait3A_205 = arith.constant 0 : i32
      %dma_wait3A_206 = tpu.memref_slice %arg7[%dma_wait3A_204, %dma_wait3A_205] : memref<1000x128xf32, #tpu.memory_space<vmem_shared>> -> memref<1000x128xf32, #tpu.memory_space<vmem_shared>>
      %dma_wait3A_207 = tpu.memref_slice %arg8[%dma_wait3A_196] : memref<5x!tpu.dma_semaphore, #tpu.memory_space<semaphore_mem>> -> memref<1x!tpu.dma_semaphore, #tpu.memory_space<semaphore_mem>>
      %dma_wait3A_208 = tpu.memref_squeeze %dma_wait3A_207 : memref<1x!tpu.dma_semaphore, #tpu.memory_space<semaphore_mem>> -> memref<!tpu.dma_semaphore, #tpu.memory_space<semaphore_mem>>
      tpu.wait_indirect_dma semaphore(%dma_wait3A_208 : memref<!tpu.dma_semaphore, #tpu.memory_space<semaphore_mem>>) src(%dma_wait3A_206 : memref<1000x128xf32, #tpu.memory_space<vmem_shared>>) dst(%dma_wait3A_200 : memref<128x128xf32, #tpu.memory_space<vmem>>)
      %dma_start3A_209 = arith.constant 1 : i32
      %dma_start3A_210 = arith.constant 1 : i32
      %dma_start3A_211 = arith.constant 0 : i32
      %dma_start3A_212 = arith.constant 0 : i32
      %dma_start3A_213 = tpu.memref_slice %arg6[%dma_start3A_209, %dma_start3A_211, %dma_start3A_212] : memref<5x128x128xf32, #tpu.memory_space<vmem>> -> memref<1x128x128xf32, #tpu.memory_space<vmem>>
      %dma_start3A_214 = tpu.memref_squeeze %dma_start3A_213 : memref<1x128x128xf32, #tpu.memory_space<vmem>> -> memref<128x128xf32, #tpu.memory_space<vmem>>
      %dma_start3A_215 = arith.constant 0 : i32
      %dma_start3A_216 = tpu.memref_slice %arg4[%add3A_194, %mul3A_2, %dma_start3A_215] : memref<50x4096x128xf32, #tpu.memory_space<hbm>> -> memref<1x128x128xf32, #tpu.memory_space<hbm>>
      %dma_start3A_217 = tpu.memref_squeeze %dma_start3A_216 : memref<1x128x128xf32, #tpu.memory_space<hbm>> -> memref<128x128xf32, #tpu.memory_space<hbm>>
      %dma_start3A_218 = tpu.memref_slice %arg9[%dma_start3A_210] : memref<5x!tpu.dma_semaphore, #tpu.memory_space<semaphore_mem>> -> memref<1x!tpu.dma_semaphore, #tpu.memory_space<semaphore_mem>>
      %dma_start3A_219 = tpu.memref_squeeze %dma_start3A_218 : memref<1x!tpu.dma_semaphore, #tpu.memory_space<semaphore_mem>> -> memref<!tpu.dma_semaphore, #tpu.memory_space<semaphore_mem>>
      %dma_start3A_220 = arith.constant 0 : i32
      %dma_start3A_221 = tpu.memref_slice %arg4[%add3A_194, %mul3A_2, %dma_start3A_220] : memref<50x4096x128xf32, #tpu.memory_space<hbm>> -> memref<1x128x128xf32, #tpu.memory_space<hbm>>
      %dma_start3A_222 = tpu.memref_squeeze %dma_start3A_221 : memref<1x128x128xf32, #tpu.memory_space<hbm>> -> memref<128x128xf32, #tpu.memory_space<hbm>>
      %dma_start3A_223 = arith.constant 0 : i32
      %dma_start3A_224 = arith.constant 0 : i32
      %dma_start3A_225 = tpu.memref_slice %arg6[%dma_start3A_209, %dma_start3A_223, %dma_start3A_224] : memref<5x128x128xf32, #tpu.memory_space<vmem>> -> memref<1x128x128xf32, #tpu.memory_space<vmem>>
      %dma_start3A_226 = tpu.memref_squeeze %dma_start3A_225 : memref<1x128x128xf32, #tpu.memory_space<vmem>> -> memref<128x128xf32, #tpu.memory_space<vmem>>
      tpu.enqueue_dma source(%dma_start3A_226 : memref<128x128xf32, #tpu.memory_space<vmem>>) target(%dma_start3A_222 : memref<128x128xf32, #tpu.memory_space<hbm>>) target_semaphore(%dma_start3A_219 : memref<!tpu.dma_semaphore, #tpu.memory_space<semaphore_mem>>)
      %add3A_227 = arith.constant 3 : i32
      %add3A_228 = arith.addi %add3A_194, %add3A_227 : i32
      %lt3A_229 = arith.constant 50 : i32
      %lt3A_230 = arith.cmpi slt, %add3A_228, %lt3A_229 : i32
      %convert_element_type3A_231 = arith.extui %lt3A_230 : i1 to i32
      %cond3A_232 = arith.constant 0 : i32
      %cond3A_233 = arith.cmpi ne, %convert_element_type3A_231, %cond3A_232 : i32
      scf.if %cond3A_233 {
        %ge3A = arith.constant 5 : i32
        %ge3A_363 = arith.cmpi sge, %add3A_228, %ge3A : i32
        %convert_element_type3A_364 = arith.extui %ge3A_363 : i1 to i32
        %cond3A_365 = arith.constant 0 : i32
        %cond3A_366 = arith.cmpi ne, %convert_element_type3A_364, %cond3A_365 : i32
        scf.if %cond3A_366 {
          %dma_wait3A_381 = arith.constant 4 : i32
          %dma_wait3A_382 = arith.constant 0 : i32
          %dma_wait3A_383 = arith.constant 4 : i32
          %dma_wait3A_384 = arith.constant 0 : i32
          %dma_wait3A_385 = arith.constant 0 : i32
          %dma_wait3A_386 = tpu.memref_slice %arg6[%dma_wait3A_381, %dma_wait3A_384, %dma_wait3A_385] : memref<5x128x128xf32, #tpu.memory_space<vmem>> -> memref<1x128x128xf32, #tpu.memory_space<vmem>>
          %dma_wait3A_387 = tpu.memref_squeeze %dma_wait3A_386 : memref<1x128x128xf32, #tpu.memory_space<vmem>> -> memref<128x128xf32, #tpu.memory_space<vmem>>
          %dma_wait3A_388 = arith.constant 0 : i32
          %dma_wait3A_389 = tpu.memref_slice %arg4[%dma_wait3A_382, %mul3A_2, %dma_wait3A_388] : memref<50x4096x128xf32, #tpu.memory_space<hbm>> -> memref<1x128x128xf32, #tpu.memory_space<hbm>>
          %dma_wait3A_390 = tpu.memref_squeeze %dma_wait3A_389 : memref<1x128x128xf32, #tpu.memory_space<hbm>> -> memref<128x128xf32, #tpu.memory_space<hbm>>
          %dma_wait3A_391 = tpu.memref_slice %arg9[%dma_wait3A_383] : memref<5x!tpu.dma_semaphore, #tpu.memory_space<semaphore_mem>> -> memref<1x!tpu.dma_semaphore, #tpu.memory_space<semaphore_mem>>
          %dma_wait3A_392 = tpu.memref_squeeze %dma_wait3A_391 : memref<1x!tpu.dma_semaphore, #tpu.memory_space<semaphore_mem>> -> memref<!tpu.dma_semaphore, #tpu.memory_space<semaphore_mem>>
          %dma_wait3A_393 = arith.constant 0 : i32
          %dma_wait3A_394 = tpu.memref_slice %arg4[%dma_wait3A_382, %mul3A_2, %dma_wait3A_393] : memref<50x4096x128xf32, #tpu.memory_space<hbm>> -> memref<1x128x128xf32, #tpu.memory_space<hbm>>
          %dma_wait3A_395 = tpu.memref_squeeze %dma_wait3A_394 : memref<1x128x128xf32, #tpu.memory_space<hbm>> -> memref<128x128xf32, #tpu.memory_space<hbm>>
          %dma_wait3A_396 = arith.constant 0 : i32
          %dma_wait3A_397 = arith.constant 0 : i32
          %dma_wait3A_398 = tpu.memref_slice %arg6[%dma_wait3A_381, %dma_wait3A_396, %dma_wait3A_397] : memref<5x128x128xf32, #tpu.memory_space<vmem>> -> memref<1x128x128xf32, #tpu.memory_space<vmem>>
          %dma_wait3A_399 = tpu.memref_squeeze %dma_wait3A_398 : memref<1x128x128xf32, #tpu.memory_space<vmem>> -> memref<128x128xf32, #tpu.memory_space<vmem>>
          tpu.wait_dma2 semaphore(%dma_wait3A_392 : memref<!tpu.dma_semaphore, #tpu.memory_space<semaphore_mem>>) src(%dma_wait3A_399 : memref<128x128xf32, #tpu.memory_space<vmem>>) dst(%dma_wait3A_395 : memref<128x128xf32, #tpu.memory_space<hbm>>)
        } else {
        }
        %dma_start3A_367 = arith.constant 4 : i32
        %dma_start3A_368 = arith.constant 4 : i32
        %dma_start3A_369 = arith.constant 0 : i32
        %dma_start3A_370 = arith.constant 0 : i32
        %dma_start3A_371 = tpu.memref_slice %arg6[%dma_start3A_367, %dma_start3A_369, %dma_start3A_370] : memref<5x128x128xf32, #tpu.memory_space<vmem>> -> memref<1x128x128xf32, #tpu.memory_space<vmem>>
        %dma_start3A_372 = tpu.memref_squeeze %dma_start3A_371 : memref<1x128x128xf32, #tpu.memory_space<vmem>> -> memref<128x128xf32, #tpu.memory_space<vmem>>
        %dma_start3A_373 = arith.constant 0 : i32
        %dma_start3A_374 = tpu.memref_slice %arg5[%add3A_228, %dma_start3A_373] : memref<50x128xi32, #tpu.memory_space<vmem>> -> memref<1x128xi32, #tpu.memory_space<vmem>>
        %dma_start3A_375 = tpu.memref_squeeze %dma_start3A_374 : memref<1x128xi32, #tpu.memory_space<vmem>> -> memref<128xi32, #tpu.memory_space<vmem>>
        %dma_start3A_376 = arith.constant 0 : i32
        %dma_start3A_377 = arith.constant 0 : i32
        %dma_start3A_378 = tpu.memref_slice %arg7[%dma_start3A_376, %dma_start3A_377] : memref<1000x128xf32, #tpu.memory_space<vmem_shared>> -> memref<1000x128xf32, #tpu.memory_space<vmem_shared>>
        %dma_start3A_379 = tpu.memref_slice %arg8[%dma_start3A_368] : memref<5x!tpu.dma_semaphore, #tpu.memory_space<semaphore_mem>> -> memref<1x!tpu.dma_semaphore, #tpu.memory_space<semaphore_mem>>
        %dma_start3A_380 = tpu.memref_squeeze %dma_start3A_379 : memref<1x!tpu.dma_semaphore, #tpu.memory_space<semaphore_mem>> -> memref<!tpu.dma_semaphore, #tpu.memory_space<semaphore_mem>>
        tpu.enqueue_indirect_dma source(%dma_start3A_378 : memref<1000x128xf32, #tpu.memory_space<vmem_shared>>) target(%dma_start3A_372 : memref<128x128xf32, #tpu.memory_space<vmem>>) offsets(%dma_start3A_375 : memref<128xi32, #tpu.memory_space<vmem>>) semaphore(%dma_start3A_380 : memref<!tpu.dma_semaphore, #tpu.memory_space<semaphore_mem>>)
      } else {
      }
      %mul3A_234 = arith.constant 5 : i32
      %mul3A_235 = arith.muli %scan3A_148, %mul3A_234 : i32
      %add3A_236 = arith.constant 2 : i32
      %add3A_237 = arith.addi %mul3A_235, %add3A_236 : i32
      %dma_wait3A_238 = arith.constant 2 : i32
      %dma_wait3A_239 = arith.constant 2 : i32
      %dma_wait3A_240 = arith.constant 0 : i32
      %dma_wait3A_241 = arith.constant 0 : i32
      %dma_wait3A_242 = tpu.memref_slice %arg6[%dma_wait3A_238, %dma_wait3A_240, %dma_wait3A_241] : memref<5x128x128xf32, #tpu.memory_space<vmem>> -> memref<1x128x128xf32, #tpu.memory_space<vmem>>
      %dma_wait3A_243 = tpu.memref_squeeze %dma_wait3A_242 : memref<1x128x128xf32, #tpu.memory_space<vmem>> -> memref<128x128xf32, #tpu.memory_space<vmem>>
      %dma_wait3A_244 = arith.constant 0 : i32
      %dma_wait3A_245 = tpu.memref_slice %arg5[%add3A_237, %dma_wait3A_244] : memref<50x128xi32, #tpu.memory_space<vmem>> -> memref<1x128xi32, #tpu.memory_space<vmem>>
      %dma_wait3A_246 = tpu.memref_squeeze %dma_wait3A_245 : memref<1x128xi32, #tpu.memory_space<vmem>> -> memref<128xi32, #tpu.memory_space<vmem>>
      %dma_wait3A_247 = arith.constant 0 : i32
      %dma_wait3A_248 = arith.constant 0 : i32
      %dma_wait3A_249 = tpu.memref_slice %arg7[%dma_wait3A_247, %dma_wait3A_248] : memref<1000x128xf32, #tpu.memory_space<vmem_shared>> -> memref<1000x128xf32, #tpu.memory_space<vmem_shared>>
      %dma_wait3A_250 = tpu.memref_slice %arg8[%dma_wait3A_239] : memref<5x!tpu.dma_semaphore, #tpu.memory_space<semaphore_mem>> -> memref<1x!tpu.dma_semaphore, #tpu.memory_space<semaphore_mem>>
      %dma_wait3A_251 = tpu.memref_squeeze %dma_wait3A_250 : memref<1x!tpu.dma_semaphore, #tpu.memory_space<semaphore_mem>> -> memref<!tpu.dma_semaphore, #tpu.memory_space<semaphore_mem>>
      tpu.wait_indirect_dma semaphore(%dma_wait3A_251 : memref<!tpu.dma_semaphore, #tpu.memory_space<semaphore_mem>>) src(%dma_wait3A_249 : memref<1000x128xf32, #tpu.memory_space<vmem_shared>>) dst(%dma_wait3A_243 : memref<128x128xf32, #tpu.memory_space<vmem>>)
      %dma_start3A_252 = arith.constant 2 : i32
      %dma_start3A_253 = arith.constant 2 : i32
      %dma_start3A_254 = arith.constant 0 : i32
      %dma_start3A_255 = arith.constant 0 : i32
      %dma_start3A_256 = tpu.memref_slice %arg6[%dma_start3A_252, %dma_start3A_254, %dma_start3A_255] : memref<5x128x128xf32, #tpu.memory_space<vmem>> -> memref<1x128x128xf32, #tpu.memory_space<vmem>>
      %dma_start3A_257 = tpu.memref_squeeze %dma_start3A_256 : memref<1x128x128xf32, #tpu.memory_space<vmem>> -> memref<128x128xf32, #tpu.memory_space<vmem>>
      %dma_start3A_258 = arith.constant 0 : i32
      %dma_start3A_259 = tpu.memref_slice %arg4[%add3A_237, %mul3A_2, %dma_start3A_258] : memref<50x4096x128xf32, #tpu.memory_space<hbm>> -> memref<1x128x128xf32, #tpu.memory_space<hbm>>
      %dma_start3A_260 = tpu.memref_squeeze %dma_start3A_259 : memref<1x128x128xf32, #tpu.memory_space<hbm>> -> memref<128x128xf32, #tpu.memory_space<hbm>>
      %dma_start3A_261 = tpu.memref_slice %arg9[%dma_start3A_253] : memref<5x!tpu.dma_semaphore, #tpu.memory_space<semaphore_mem>> -> memref<1x!tpu.dma_semaphore, #tpu.memory_space<semaphore_mem>>
      %dma_start3A_262 = tpu.memref_squeeze %dma_start3A_261 : memref<1x!tpu.dma_semaphore, #tpu.memory_space<semaphore_mem>> -> memref<!tpu.dma_semaphore, #tpu.memory_space<semaphore_mem>>
      %dma_start3A_263 = arith.constant 0 : i32
      %dma_start3A_264 = tpu.memref_slice %arg4[%add3A_237, %mul3A_2, %dma_start3A_263] : memref<50x4096x128xf32, #tpu.memory_space<hbm>> -> memref<1x128x128xf32, #tpu.memory_space<hbm>>
      %dma_start3A_265 = tpu.memref_squeeze %dma_start3A_264 : memref<1x128x128xf32, #tpu.memory_space<hbm>> -> memref<128x128xf32, #tpu.memory_space<hbm>>
      %dma_start3A_266 = arith.constant 0 : i32
      %dma_start3A_267 = arith.constant 0 : i32
      %dma_start3A_268 = tpu.memref_slice %arg6[%dma_start3A_252, %dma_start3A_266, %dma_start3A_267] : memref<5x128x128xf32, #tpu.memory_space<vmem>> -> memref<1x128x128xf32, #tpu.memory_space<vmem>>
      %dma_start3A_269 = tpu.memref_squeeze %dma_start3A_268 : memref<1x128x128xf32, #tpu.memory_space<vmem>> -> memref<128x128xf32, #tpu.memory_space<vmem>>
      tpu.enqueue_dma source(%dma_start3A_269 : memref<128x128xf32, #tpu.memory_space<vmem>>) target(%dma_start3A_265 : memref<128x128xf32, #tpu.memory_space<hbm>>) target_semaphore(%dma_start3A_262 : memref<!tpu.dma_semaphore, #tpu.memory_space<semaphore_mem>>)
      %add3A_270 = arith.constant 3 : i32
      %add3A_271 = arith.addi %add3A_237, %add3A_270 : i32
      %lt3A_272 = arith.constant 50 : i32
      %lt3A_273 = arith.cmpi slt, %add3A_271, %lt3A_272 : i32
      %convert_element_type3A_274 = arith.extui %lt3A_273 : i1 to i32
      %cond3A_275 = arith.constant 0 : i32
      %cond3A_276 = arith.cmpi ne, %convert_element_type3A_274, %cond3A_275 : i32
      scf.if %cond3A_276 {
        %ge3A = arith.constant 5 : i32
        %ge3A_363 = arith.cmpi sge, %add3A_271, %ge3A : i32
        %convert_element_type3A_364 = arith.extui %ge3A_363 : i1 to i32
        %cond3A_365 = arith.constant 0 : i32
        %cond3A_366 = arith.cmpi ne, %convert_element_type3A_364, %cond3A_365 : i32
        scf.if %cond3A_366 {
          %dma_wait3A_381 = arith.constant 0 : i32
          %dma_wait3A_382 = arith.constant 0 : i32
          %dma_wait3A_383 = arith.constant 0 : i32
          %dma_wait3A_384 = arith.constant 0 : i32
          %dma_wait3A_385 = arith.constant 0 : i32
          %dma_wait3A_386 = tpu.memref_slice %arg6[%dma_wait3A_381, %dma_wait3A_384, %dma_wait3A_385] : memref<5x128x128xf32, #tpu.memory_space<vmem>> -> memref<1x128x128xf32, #tpu.memory_space<vmem>>
          %dma_wait3A_387 = tpu.memref_squeeze %dma_wait3A_386 : memref<1x128x128xf32, #tpu.memory_space<vmem>> -> memref<128x128xf32, #tpu.memory_space<vmem>>
          %dma_wait3A_388 = arith.constant 0 : i32
          %dma_wait3A_389 = tpu.memref_slice %arg4[%dma_wait3A_382, %mul3A_2, %dma_wait3A_388] : memref<50x4096x128xf32, #tpu.memory_space<hbm>> -> memref<1x128x128xf32, #tpu.memory_space<hbm>>
          %dma_wait3A_390 = tpu.memref_squeeze %dma_wait3A_389 : memref<1x128x128xf32, #tpu.memory_space<hbm>> -> memref<128x128xf32, #tpu.memory_space<hbm>>
          %dma_wait3A_391 = tpu.memref_slice %arg9[%dma_wait3A_383] : memref<5x!tpu.dma_semaphore, #tpu.memory_space<semaphore_mem>> -> memref<1x!tpu.dma_semaphore, #tpu.memory_space<semaphore_mem>>
          %dma_wait3A_392 = tpu.memref_squeeze %dma_wait3A_391 : memref<1x!tpu.dma_semaphore, #tpu.memory_space<semaphore_mem>> -> memref<!tpu.dma_semaphore, #tpu.memory_space<semaphore_mem>>
          %dma_wait3A_393 = arith.constant 0 : i32
          %dma_wait3A_394 = tpu.memref_slice %arg4[%dma_wait3A_382, %mul3A_2, %dma_wait3A_393] : memref<50x4096x128xf32, #tpu.memory_space<hbm>> -> memref<1x128x128xf32, #tpu.memory_space<hbm>>
          %dma_wait3A_395 = tpu.memref_squeeze %dma_wait3A_394 : memref<1x128x128xf32, #tpu.memory_space<hbm>> -> memref<128x128xf32, #tpu.memory_space<hbm>>
          %dma_wait3A_396 = arith.constant 0 : i32
          %dma_wait3A_397 = arith.constant 0 : i32
          %dma_wait3A_398 = tpu.memref_slice %arg6[%dma_wait3A_381, %dma_wait3A_396, %dma_wait3A_397] : memref<5x128x128xf32, #tpu.memory_space<vmem>> -> memref<1x128x128xf32, #tpu.memory_space<vmem>>
          %dma_wait3A_399 = tpu.memref_squeeze %dma_wait3A_398 : memref<1x128x128xf32, #tpu.memory_space<vmem>> -> memref<128x128xf32, #tpu.memory_space<vmem>>
          tpu.wait_dma2 semaphore(%dma_wait3A_392 : memref<!tpu.dma_semaphore, #tpu.memory_space<semaphore_mem>>) src(%dma_wait3A_399 : memref<128x128xf32, #tpu.memory_space<vmem>>) dst(%dma_wait3A_395 : memref<128x128xf32, #tpu.memory_space<hbm>>)
        } else {
        }
        %dma_start3A_367 = arith.constant 0 : i32
        %dma_start3A_368 = arith.constant 0 : i32
        %dma_start3A_369 = arith.constant 0 : i32
        %dma_start3A_370 = arith.constant 0 : i32
        %dma_start3A_371 = tpu.memref_slice %arg6[%dma_start3A_367, %dma_start3A_369, %dma_start3A_370] : memref<5x128x128xf32, #tpu.memory_space<vmem>> -> memref<1x128x128xf32, #tpu.memory_space<vmem>>
        %dma_start3A_372 = tpu.memref_squeeze %dma_start3A_371 : memref<1x128x128xf32, #tpu.memory_space<vmem>> -> memref<128x128xf32, #tpu.memory_space<vmem>>
        %dma_start3A_373 = arith.constant 0 : i32
        %dma_start3A_374 = tpu.memref_slice %arg5[%add3A_271, %dma_start3A_373] : memref<50x128xi32, #tpu.memory_space<vmem>> -> memref<1x128xi32, #tpu.memory_space<vmem>>
        %dma_start3A_375 = tpu.memref_squeeze %dma_start3A_374 : memref<1x128xi32, #tpu.memory_space<vmem>> -> memref<128xi32, #tpu.memory_space<vmem>>
        %dma_start3A_376 = arith.constant 0 : i32
        %dma_start3A_377 = arith.constant 0 : i32
        %dma_start3A_378 = tpu.memref_slice %arg7[%dma_start3A_376, %dma_start3A_377] : memref<1000x128xf32, #tpu.memory_space<vmem_shared>> -> memref<1000x128xf32, #tpu.memory_space<vmem_shared>>
        %dma_start3A_379 = tpu.memref_slice %arg8[%dma_start3A_368] : memref<5x!tpu.dma_semaphore, #tpu.memory_space<semaphore_mem>> -> memref<1x!tpu.dma_semaphore, #tpu.memory_space<semaphore_mem>>
        %dma_start3A_380 = tpu.memref_squeeze %dma_start3A_379 : memref<1x!tpu.dma_semaphore, #tpu.memory_space<semaphore_mem>> -> memref<!tpu.dma_semaphore, #tpu.memory_space<semaphore_mem>>
        tpu.enqueue_indirect_dma source(%dma_start3A_378 : memref<1000x128xf32, #tpu.memory_space<vmem_shared>>) target(%dma_start3A_372 : memref<128x128xf32, #tpu.memory_space<vmem>>) offsets(%dma_start3A_375 : memref<128xi32, #tpu.memory_space<vmem>>) semaphore(%dma_start3A_380 : memref<!tpu.dma_semaphore, #tpu.memory_space<semaphore_mem>>)
      } else {
      }
      %mul3A_277 = arith.constant 5 : i32
      %mul3A_278 = arith.muli %scan3A_148, %mul3A_277 : i32
      %add3A_279 = arith.constant 3 : i32
      %add3A_280 = arith.addi %mul3A_278, %add3A_279 : i32
      %dma_wait3A_281 = arith.constant 3 : i32
      %dma_wait3A_282 = arith.constant 3 : i32
      %dma_wait3A_283 = arith.constant 0 : i32
      %dma_wait3A_284 = arith.constant 0 : i32
      %dma_wait3A_285 = tpu.memref_slice %arg6[%dma_wait3A_281, %dma_wait3A_283, %dma_wait3A_284] : memref<5x128x128xf32, #tpu.memory_space<vmem>> -> memref<1x128x128xf32, #tpu.memory_space<vmem>>
      %dma_wait3A_286 = tpu.memref_squeeze %dma_wait3A_285 : memref<1x128x128xf32, #tpu.memory_space<vmem>> -> memref<128x128xf32, #tpu.memory_space<vmem>>
      %dma_wait3A_287 = arith.constant 0 : i32
      %dma_wait3A_288 = tpu.memref_slice %arg5[%add3A_280, %dma_wait3A_287] : memref<50x128xi32, #tpu.memory_space<vmem>> -> memref<1x128xi32, #tpu.memory_space<vmem>>
      %dma_wait3A_289 = tpu.memref_squeeze %dma_wait3A_288 : memref<1x128xi32, #tpu.memory_space<vmem>> -> memref<128xi32, #tpu.memory_space<vmem>>
      %dma_wait3A_290 = arith.constant 0 : i32
      %dma_wait3A_291 = arith.constant 0 : i32
      %dma_wait3A_292 = tpu.memref_slice %arg7[%dma_wait3A_290, %dma_wait3A_291] : memref<1000x128xf32, #tpu.memory_space<vmem_shared>> -> memref<1000x128xf32, #tpu.memory_space<vmem_shared>>
      %dma_wait3A_293 = tpu.memref_slice %arg8[%dma_wait3A_282] : memref<5x!tpu.dma_semaphore, #tpu.memory_space<semaphore_mem>> -> memref<1x!tpu.dma_semaphore, #tpu.memory_space<semaphore_mem>>
      %dma_wait3A_294 = tpu.memref_squeeze %dma_wait3A_293 : memref<1x!tpu.dma_semaphore, #tpu.memory_space<semaphore_mem>> -> memref<!tpu.dma_semaphore, #tpu.memory_space<semaphore_mem>>
      tpu.wait_indirect_dma semaphore(%dma_wait3A_294 : memref<!tpu.dma_semaphore, #tpu.memory_space<semaphore_mem>>) src(%dma_wait3A_292 : memref<1000x128xf32, #tpu.memory_space<vmem_shared>>) dst(%dma_wait3A_286 : memref<128x128xf32, #tpu.memory_space<vmem>>)
      %dma_start3A_295 = arith.constant 3 : i32
      %dma_start3A_296 = arith.constant 3 : i32
      %dma_start3A_297 = arith.constant 0 : i32
      %dma_start3A_298 = arith.constant 0 : i32
      %dma_start3A_299 = tpu.memref_slice %arg6[%dma_start3A_295, %dma_start3A_297, %dma_start3A_298] : memref<5x128x128xf32, #tpu.memory_space<vmem>> -> memref<1x128x128xf32, #tpu.memory_space<vmem>>
      %dma_start3A_300 = tpu.memref_squeeze %dma_start3A_299 : memref<1x128x128xf32, #tpu.memory_space<vmem>> -> memref<128x128xf32, #tpu.memory_space<vmem>>
      %dma_start3A_301 = arith.constant 0 : i32
      %dma_start3A_302 = tpu.memref_slice %arg4[%add3A_280, %mul3A_2, %dma_start3A_301] : memref<50x4096x128xf32, #tpu.memory_space<hbm>> -> memref<1x128x128xf32, #tpu.memory_space<hbm>>
      %dma_start3A_303 = tpu.memref_squeeze %dma_start3A_302 : memref<1x128x128xf32, #tpu.memory_space<hbm>> -> memref<128x128xf32, #tpu.memory_space<hbm>>
      %dma_start3A_304 = tpu.memref_slice %arg9[%dma_start3A_296] : memref<5x!tpu.dma_semaphore, #tpu.memory_space<semaphore_mem>> -> memref<1x!tpu.dma_semaphore, #tpu.memory_space<semaphore_mem>>
      %dma_start3A_305 = tpu.memref_squeeze %dma_start3A_304 : memref<1x!tpu.dma_semaphore, #tpu.memory_space<semaphore_mem>> -> memref<!tpu.dma_semaphore, #tpu.memory_space<semaphore_mem>>
      %dma_start3A_306 = arith.constant 0 : i32
      %dma_start3A_307 = tpu.memref_slice %arg4[%add3A_280, %mul3A_2, %dma_start3A_306] : memref<50x4096x128xf32, #tpu.memory_space<hbm>> -> memref<1x128x128xf32, #tpu.memory_space<hbm>>
      %dma_start3A_308 = tpu.memref_squeeze %dma_start3A_307 : memref<1x128x128xf32, #tpu.memory_space<hbm>> -> memref<128x128xf32, #tpu.memory_space<hbm>>
      %dma_start3A_309 = arith.constant 0 : i32
      %dma_start3A_310 = arith.constant 0 : i32
      %dma_start3A_311 = tpu.memref_slice %arg6[%dma_start3A_295, %dma_start3A_309, %dma_start3A_310] : memref<5x128x128xf32, #tpu.memory_space<vmem>> -> memref<1x128x128xf32, #tpu.memory_space<vmem>>
      %dma_start3A_312 = tpu.memref_squeeze %dma_start3A_311 : memref<1x128x128xf32, #tpu.memory_space<vmem>> -> memref<128x128xf32, #tpu.memory_space<vmem>>
      tpu.enqueue_dma source(%dma_start3A_312 : memref<128x128xf32, #tpu.memory_space<vmem>>) target(%dma_start3A_308 : memref<128x128xf32, #tpu.memory_space<hbm>>) target_semaphore(%dma_start3A_305 : memref<!tpu.dma_semaphore, #tpu.memory_space<semaphore_mem>>)
      %add3A_313 = arith.constant 3 : i32
      %add3A_314 = arith.addi %add3A_280, %add3A_313 : i32
      %lt3A_315 = arith.constant 50 : i32
      %lt3A_316 = arith.cmpi slt, %add3A_314, %lt3A_315 : i32
      %convert_element_type3A_317 = arith.extui %lt3A_316 : i1 to i32
      %cond3A_318 = arith.constant 0 : i32
      %cond3A_319 = arith.cmpi ne, %convert_element_type3A_317, %cond3A_318 : i32
      scf.if %cond3A_319 {
        %ge3A = arith.constant 5 : i32
        %ge3A_363 = arith.cmpi sge, %add3A_314, %ge3A : i32
        %convert_element_type3A_364 = arith.extui %ge3A_363 : i1 to i32
        %cond3A_365 = arith.constant 0 : i32
        %cond3A_366 = arith.cmpi ne, %convert_element_type3A_364, %cond3A_365 : i32
        scf.if %cond3A_366 {
          %dma_wait3A_381 = arith.constant 1 : i32
          %dma_wait3A_382 = arith.constant 0 : i32
          %dma_wait3A_383 = arith.constant 1 : i32
          %dma_wait3A_384 = arith.constant 0 : i32
          %dma_wait3A_385 = arith.constant 0 : i32
          %dma_wait3A_386 = tpu.memref_slice %arg6[%dma_wait3A_381, %dma_wait3A_384, %dma_wait3A_385] : memref<5x128x128xf32, #tpu.memory_space<vmem>> -> memref<1x128x128xf32, #tpu.memory_space<vmem>>
          %dma_wait3A_387 = tpu.memref_squeeze %dma_wait3A_386 : memref<1x128x128xf32, #tpu.memory_space<vmem>> -> memref<128x128xf32, #tpu.memory_space<vmem>>
          %dma_wait3A_388 = arith.constant 0 : i32
          %dma_wait3A_389 = tpu.memref_slice %arg4[%dma_wait3A_382, %mul3A_2, %dma_wait3A_388] : memref<50x4096x128xf32, #tpu.memory_space<hbm>> -> memref<1x128x128xf32, #tpu.memory_space<hbm>>
          %dma_wait3A_390 = tpu.memref_squeeze %dma_wait3A_389 : memref<1x128x128xf32, #tpu.memory_space<hbm>> -> memref<128x128xf32, #tpu.memory_space<hbm>>
          %dma_wait3A_391 = tpu.memref_slice %arg9[%dma_wait3A_383] : memref<5x!tpu.dma_semaphore, #tpu.memory_space<semaphore_mem>> -> memref<1x!tpu.dma_semaphore, #tpu.memory_space<semaphore_mem>>
          %dma_wait3A_392 = tpu.memref_squeeze %dma_wait3A_391 : memref<1x!tpu.dma_semaphore, #tpu.memory_space<semaphore_mem>> -> memref<!tpu.dma_semaphore, #tpu.memory_space<semaphore_mem>>
          %dma_wait3A_393 = arith.constant 0 : i32
          %dma_wait3A_394 = tpu.memref_slice %arg4[%dma_wait3A_382, %mul3A_2, %dma_wait3A_393] : memref<50x4096x128xf32, #tpu.memory_space<hbm>> -> memref<1x128x128xf32, #tpu.memory_space<hbm>>
          %dma_wait3A_395 = tpu.memref_squeeze %dma_wait3A_394 : memref<1x128x128xf32, #tpu.memory_space<hbm>> -> memref<128x128xf32, #tpu.memory_space<hbm>>
          %dma_wait3A_396 = arith.constant 0 : i32
          %dma_wait3A_397 = arith.constant 0 : i32
          %dma_wait3A_398 = tpu.memref_slice %arg6[%dma_wait3A_381, %dma_wait3A_396, %dma_wait3A_397] : memref<5x128x128xf32, #tpu.memory_space<vmem>> -> memref<1x128x128xf32, #tpu.memory_space<vmem>>
          %dma_wait3A_399 = tpu.memref_squeeze %dma_wait3A_398 : memref<1x128x128xf32, #tpu.memory_space<vmem>> -> memref<128x128xf32, #tpu.memory_space<vmem>>
          tpu.wait_dma2 semaphore(%dma_wait3A_392 : memref<!tpu.dma_semaphore, #tpu.memory_space<semaphore_mem>>) src(%dma_wait3A_399 : memref<128x128xf32, #tpu.memory_space<vmem>>) dst(%dma_wait3A_395 : memref<128x128xf32, #tpu.memory_space<hbm>>)
        } else {
        }
        %dma_start3A_367 = arith.constant 1 : i32
        %dma_start3A_368 = arith.constant 1 : i32
        %dma_start3A_369 = arith.constant 0 : i32
        %dma_start3A_370 = arith.constant 0 : i32
        %dma_start3A_371 = tpu.memref_slice %arg6[%dma_start3A_367, %dma_start3A_369, %dma_start3A_370] : memref<5x128x128xf32, #tpu.memory_space<vmem>> -> memref<1x128x128xf32, #tpu.memory_space<vmem>>
        %dma_start3A_372 = tpu.memref_squeeze %dma_start3A_371 : memref<1x128x128xf32, #tpu.memory_space<vmem>> -> memref<128x128xf32, #tpu.memory_space<vmem>>
        %dma_start3A_373 = arith.constant 0 : i32
        %dma_start3A_374 = tpu.memref_slice %arg5[%add3A_314, %dma_start3A_373] : memref<50x128xi32, #tpu.memory_space<vmem>> -> memref<1x128xi32, #tpu.memory_space<vmem>>
        %dma_start3A_375 = tpu.memref_squeeze %dma_start3A_374 : memref<1x128xi32, #tpu.memory_space<vmem>> -> memref<128xi32, #tpu.memory_space<vmem>>
        %dma_start3A_376 = arith.constant 0 : i32
        %dma_start3A_377 = arith.constant 0 : i32
        %dma_start3A_378 = tpu.memref_slice %arg7[%dma_start3A_376, %dma_start3A_377] : memref<1000x128xf32, #tpu.memory_space<vmem_shared>> -> memref<1000x128xf32, #tpu.memory_space<vmem_shared>>
        %dma_start3A_379 = tpu.memref_slice %arg8[%dma_start3A_368] : memref<5x!tpu.dma_semaphore, #tpu.memory_space<semaphore_mem>> -> memref<1x!tpu.dma_semaphore, #tpu.memory_space<semaphore_mem>>
        %dma_start3A_380 = tpu.memref_squeeze %dma_start3A_379 : memref<1x!tpu.dma_semaphore, #tpu.memory_space<semaphore_mem>> -> memref<!tpu.dma_semaphore, #tpu.memory_space<semaphore_mem>>
        tpu.enqueue_indirect_dma source(%dma_start3A_378 : memref<1000x128xf32, #tpu.memory_space<vmem_shared>>) target(%dma_start3A_372 : memref<128x128xf32, #tpu.memory_space<vmem>>) offsets(%dma_start3A_375 : memref<128xi32, #tpu.memory_space<vmem>>) semaphore(%dma_start3A_380 : memref<!tpu.dma_semaphore, #tpu.memory_space<semaphore_mem>>)
      } else {
      }
      %mul3A_320 = arith.constant 5 : i32
      %mul3A_321 = arith.muli %scan3A_148, %mul3A_320 : i32
      %add3A_322 = arith.constant 4 : i32
      %add3A_323 = arith.addi %mul3A_321, %add3A_322 : i32
      %dma_wait3A_324 = arith.constant 4 : i32
      %dma_wait3A_325 = arith.constant 4 : i32
      %dma_wait3A_326 = arith.constant 0 : i32
      %dma_wait3A_327 = arith.constant 0 : i32
      %dma_wait3A_328 = tpu.memref_slice %arg6[%dma_wait3A_324, %dma_wait3A_326, %dma_wait3A_327] : memref<5x128x128xf32, #tpu.memory_space<vmem>> -> memref<1x128x128xf32, #tpu.memory_space<vmem>>
      %dma_wait3A_329 = tpu.memref_squeeze %dma_wait3A_328 : memref<1x128x128xf32, #tpu.memory_space<vmem>> -> memref<128x128xf32, #tpu.memory_space<vmem>>
      %dma_wait3A_330 = arith.constant 0 : i32
      %dma_wait3A_331 = tpu.memref_slice %arg5[%add3A_323, %dma_wait3A_330] : memref<50x128xi32, #tpu.memory_space<vmem>> -> memref<1x128xi32, #tpu.memory_space<vmem>>
      %dma_wait3A_332 = tpu.memref_squeeze %dma_wait3A_331 : memref<1x128xi32, #tpu.memory_space<vmem>> -> memref<128xi32, #tpu.memory_space<vmem>>
      %dma_wait3A_333 = arith.constant 0 : i32
      %dma_wait3A_334 = arith.constant 0 : i32
      %dma_wait3A_335 = tpu.memref_slice %arg7[%dma_wait3A_333, %dma_wait3A_334] : memref<1000x128xf32, #tpu.memory_space<vmem_shared>> -> memref<1000x128xf32, #tpu.memory_space<vmem_shared>>
      %dma_wait3A_336 = tpu.memref_slice %arg8[%dma_wait3A_325] : memref<5x!tpu.dma_semaphore, #tpu.memory_space<semaphore_mem>> -> memref<1x!tpu.dma_semaphore, #tpu.memory_space<semaphore_mem>>
      %dma_wait3A_337 = tpu.memref_squeeze %dma_wait3A_336 : memref<1x!tpu.dma_semaphore, #tpu.memory_space<semaphore_mem>> -> memref<!tpu.dma_semaphore, #tpu.memory_space<semaphore_mem>>
      tpu.wait_indirect_dma semaphore(%dma_wait3A_337 : memref<!tpu.dma_semaphore, #tpu.memory_space<semaphore_mem>>) src(%dma_wait3A_335 : memref<1000x128xf32, #tpu.memory_space<vmem_shared>>) dst(%dma_wait3A_329 : memref<128x128xf32, #tpu.memory_space<vmem>>)
      %dma_start3A_338 = arith.constant 4 : i32
      %dma_start3A_339 = arith.constant 4 : i32
      %dma_start3A_340 = arith.constant 0 : i32
      %dma_start3A_341 = arith.constant 0 : i32
      %dma_start3A_342 = tpu.memref_slice %arg6[%dma_start3A_338, %dma_start3A_340, %dma_start3A_341] : memref<5x128x128xf32, #tpu.memory_space<vmem>> -> memref<1x128x128xf32, #tpu.memory_space<vmem>>
      %dma_start3A_343 = tpu.memref_squeeze %dma_start3A_342 : memref<1x128x128xf32, #tpu.memory_space<vmem>> -> memref<128x128xf32, #tpu.memory_space<vmem>>
      %dma_start3A_344 = arith.constant 0 : i32
      %dma_start3A_345 = tpu.memref_slice %arg4[%add3A_323, %mul3A_2, %dma_start3A_344] : memref<50x4096x128xf32, #tpu.memory_space<hbm>> -> memref<1x128x128xf32, #tpu.memory_space<hbm>>
      %dma_start3A_346 = tpu.memref_squeeze %dma_start3A_345 : memref<1x128x128xf32, #tpu.memory_space<hbm>> -> memref<128x128xf32, #tpu.memory_space<hbm>>
      %dma_start3A_347 = tpu.memref_slice %arg9[%dma_start3A_339] : memref<5x!tpu.dma_semaphore, #tpu.memory_space<semaphore_mem>> -> memref<1x!tpu.dma_semaphore, #tpu.memory_space<semaphore_mem>>
      %dma_start3A_348 = tpu.memref_squeeze %dma_start3A_347 : memref<1x!tpu.dma_semaphore, #tpu.memory_space<semaphore_mem>> -> memref<!tpu.dma_semaphore, #tpu.memory_space<semaphore_mem>>
      %dma_start3A_349 = arith.constant 0 : i32
      %dma_start3A_350 = tpu.memref_slice %arg4[%add3A_323, %mul3A_2, %dma_start3A_349] : memref<50x4096x128xf32, #tpu.memory_space<hbm>> -> memref<1x128x128xf32, #tpu.memory_space<hbm>>
      %dma_start3A_351 = tpu.memref_squeeze %dma_start3A_350 : memref<1x128x128xf32, #tpu.memory_space<hbm>> -> memref<128x128xf32, #tpu.memory_space<hbm>>
      %dma_start3A_352 = arith.constant 0 : i32
      %dma_start3A_353 = arith.constant 0 : i32
      %dma_start3A_354 = tpu.memref_slice %arg6[%dma_start3A_338, %dma_start3A_352, %dma_start3A_353] : memref<5x128x128xf32, #tpu.memory_space<vmem>> -> memref<1x128x128xf32, #tpu.memory_space<vmem>>
      %dma_start3A_355 = tpu.memref_squeeze %dma_start3A_354 : memref<1x128x128xf32, #tpu.memory_space<vmem>> -> memref<128x128xf32, #tpu.memory_space<vmem>>
      tpu.enqueue_dma source(%dma_start3A_355 : memref<128x128xf32, #tpu.memory_space<vmem>>) target(%dma_start3A_351 : memref<128x128xf32, #tpu.memory_space<hbm>>) target_semaphore(%dma_start3A_348 : memref<!tpu.dma_semaphore, #tpu.memory_space<semaphore_mem>>)
      %add3A_356 = arith.constant 3 : i32
      %add3A_357 = arith.addi %add3A_323, %add3A_356 : i32
      %lt3A_358 = arith.constant 50 : i32
      %lt3A_359 = arith.cmpi slt, %add3A_357, %lt3A_358 : i32
      %convert_element_type3A_360 = arith.extui %lt3A_359 : i1 to i32
      %cond3A_361 = arith.constant 0 : i32
      %cond3A_362 = arith.cmpi ne, %convert_element_type3A_360, %cond3A_361 : i32
      scf.if %cond3A_362 {
        %ge3A = arith.constant 5 : i32
        %ge3A_363 = arith.cmpi sge, %add3A_357, %ge3A : i32
        %convert_element_type3A_364 = arith.extui %ge3A_363 : i1 to i32
        %cond3A_365 = arith.constant 0 : i32
        %cond3A_366 = arith.cmpi ne, %convert_element_type3A_364, %cond3A_365 : i32
        scf.if %cond3A_366 {
          %dma_wait3A_381 = arith.constant 2 : i32
          %dma_wait3A_382 = arith.constant 0 : i32
          %dma_wait3A_383 = arith.constant 2 : i32
          %dma_wait3A_384 = arith.constant 0 : i32
          %dma_wait3A_385 = arith.constant 0 : i32
          %dma_wait3A_386 = tpu.memref_slice %arg6[%dma_wait3A_381, %dma_wait3A_384, %dma_wait3A_385] : memref<5x128x128xf32, #tpu.memory_space<vmem>> -> memref<1x128x128xf32, #tpu.memory_space<vmem>>
          %dma_wait3A_387 = tpu.memref_squeeze %dma_wait3A_386 : memref<1x128x128xf32, #tpu.memory_space<vmem>> -> memref<128x128xf32, #tpu.memory_space<vmem>>
          %dma_wait3A_388 = arith.constant 0 : i32
          %dma_wait3A_389 = tpu.memref_slice %arg4[%dma_wait3A_382, %mul3A_2, %dma_wait3A_388] : memref<50x4096x128xf32, #tpu.memory_space<hbm>> -> memref<1x128x128xf32, #tpu.memory_space<hbm>>
          %dma_wait3A_390 = tpu.memref_squeeze %dma_wait3A_389 : memref<1x128x128xf32, #tpu.memory_space<hbm>> -> memref<128x128xf32, #tpu.memory_space<hbm>>
          %dma_wait3A_391 = tpu.memref_slice %arg9[%dma_wait3A_383] : memref<5x!tpu.dma_semaphore, #tpu.memory_space<semaphore_mem>> -> memref<1x!tpu.dma_semaphore, #tpu.memory_space<semaphore_mem>>
          %dma_wait3A_392 = tpu.memref_squeeze %dma_wait3A_391 : memref<1x!tpu.dma_semaphore, #tpu.memory_space<semaphore_mem>> -> memref<!tpu.dma_semaphore, #tpu.memory_space<semaphore_mem>>
          %dma_wait3A_393 = arith.constant 0 : i32
          %dma_wait3A_394 = tpu.memref_slice %arg4[%dma_wait3A_382, %mul3A_2, %dma_wait3A_393] : memref<50x4096x128xf32, #tpu.memory_space<hbm>> -> memref<1x128x128xf32, #tpu.memory_space<hbm>>
          %dma_wait3A_395 = tpu.memref_squeeze %dma_wait3A_394 : memref<1x128x128xf32, #tpu.memory_space<hbm>> -> memref<128x128xf32, #tpu.memory_space<hbm>>
          %dma_wait3A_396 = arith.constant 0 : i32
          %dma_wait3A_397 = arith.constant 0 : i32
          %dma_wait3A_398 = tpu.memref_slice %arg6[%dma_wait3A_381, %dma_wait3A_396, %dma_wait3A_397] : memref<5x128x128xf32, #tpu.memory_space<vmem>> -> memref<1x128x128xf32, #tpu.memory_space<vmem>>
          %dma_wait3A_399 = tpu.memref_squeeze %dma_wait3A_398 : memref<1x128x128xf32, #tpu.memory_space<vmem>> -> memref<128x128xf32, #tpu.memory_space<vmem>>
          tpu.wait_dma2 semaphore(%dma_wait3A_392 : memref<!tpu.dma_semaphore, #tpu.memory_space<semaphore_mem>>) src(%dma_wait3A_399 : memref<128x128xf32, #tpu.memory_space<vmem>>) dst(%dma_wait3A_395 : memref<128x128xf32, #tpu.memory_space<hbm>>)
        } else {
        }
        %dma_start3A_367 = arith.constant 2 : i32
        %dma_start3A_368 = arith.constant 2 : i32
        %dma_start3A_369 = arith.constant 0 : i32
        %dma_start3A_370 = arith.constant 0 : i32
        %dma_start3A_371 = tpu.memref_slice %arg6[%dma_start3A_367, %dma_start3A_369, %dma_start3A_370] : memref<5x128x128xf32, #tpu.memory_space<vmem>> -> memref<1x128x128xf32, #tpu.memory_space<vmem>>
        %dma_start3A_372 = tpu.memref_squeeze %dma_start3A_371 : memref<1x128x128xf32, #tpu.memory_space<vmem>> -> memref<128x128xf32, #tpu.memory_space<vmem>>
        %dma_start3A_373 = arith.constant 0 : i32
        %dma_start3A_374 = tpu.memref_slice %arg5[%add3A_357, %dma_start3A_373] : memref<50x128xi32, #tpu.memory_space<vmem>> -> memref<1x128xi32, #tpu.memory_space<vmem>>
        %dma_start3A_375 = tpu.memref_squeeze %dma_start3A_374 : memref<1x128xi32, #tpu.memory_space<vmem>> -> memref<128xi32, #tpu.memory_space<vmem>>
        %dma_start3A_376 = arith.constant 0 : i32
        %dma_start3A_377 = arith.constant 0 : i32
        %dma_start3A_378 = tpu.memref_slice %arg7[%dma_start3A_376, %dma_start3A_377] : memref<1000x128xf32, #tpu.memory_space<vmem_shared>> -> memref<1000x128xf32, #tpu.memory_space<vmem_shared>>
        %dma_start3A_379 = tpu.memref_slice %arg8[%dma_start3A_368] : memref<5x!tpu.dma_semaphore, #tpu.memory_space<semaphore_mem>> -> memref<1x!tpu.dma_semaphore, #tpu.memory_space<semaphore_mem>>
        %dma_start3A_380 = tpu.memref_squeeze %dma_start3A_379 : memref<1x!tpu.dma_semaphore, #tpu.memory_space<semaphore_mem>> -> memref<!tpu.dma_semaphore, #tpu.memory_space<semaphore_mem>>
        tpu.enqueue_indirect_dma source(%dma_start3A_378 : memref<1000x128xf32, #tpu.memory_space<vmem_shared>>) target(%dma_start3A_372 : memref<128x128xf32, #tpu.memory_space<vmem>>) offsets(%dma_start3A_375 : memref<128xi32, #tpu.memory_space<vmem>>) semaphore(%dma_start3A_380 : memref<!tpu.dma_semaphore, #tpu.memory_space<semaphore_mem>>)
      } else {
      }
    }
    %scan3A_53 = arith.constant 10 : i32
    %dma_wait3A = arith.constant 0 : i32
    %dma_wait3A_54 = arith.constant 0 : i32
    %dma_wait3A_55 = arith.constant 0 : i32
    %dma_wait3A_56 = arith.constant 0 : i32
    %dma_wait3A_57 = arith.constant 0 : i32
    %dma_wait3A_58 = tpu.memref_slice %arg6[%dma_wait3A, %dma_wait3A_56, %dma_wait3A_57] : memref<5x128x128xf32, #tpu.memory_space<vmem>> -> memref<1x128x128xf32, #tpu.memory_space<vmem>>
    %dma_wait3A_59 = tpu.memref_squeeze %dma_wait3A_58 : memref<1x128x128xf32, #tpu.memory_space<vmem>> -> memref<128x128xf32, #tpu.memory_space<vmem>>
    %dma_wait3A_60 = arith.constant 0 : i32
    %dma_wait3A_61 = tpu.memref_slice %arg4[%dma_wait3A_54, %mul3A_2, %dma_wait3A_60] : memref<50x4096x128xf32, #tpu.memory_space<hbm>> -> memref<1x128x128xf32, #tpu.memory_space<hbm>>
    %dma_wait3A_62 = tpu.memref_squeeze %dma_wait3A_61 : memref<1x128x128xf32, #tpu.memory_space<hbm>> -> memref<128x128xf32, #tpu.memory_space<hbm>>
    %dma_wait3A_63 = tpu.memref_slice %arg9[%dma_wait3A_55] : memref<5x!tpu.dma_semaphore, #tpu.memory_space<semaphore_mem>> -> memref<1x!tpu.dma_semaphore, #tpu.memory_space<semaphore_mem>>
    %dma_wait3A_64 = tpu.memref_squeeze %dma_wait3A_63 : memref<1x!tpu.dma_semaphore, #tpu.memory_space<semaphore_mem>> -> memref<!tpu.dma_semaphore, #tpu.memory_space<semaphore_mem>>
    %dma_wait3A_65 = arith.constant 0 : i32
    %dma_wait3A_66 = tpu.memref_slice %arg4[%dma_wait3A_54, %mul3A_2, %dma_wait3A_65] : memref<50x4096x128xf32, #tpu.memory_space<hbm>> -> memref<1x128x128xf32, #tpu.memory_space<hbm>>
    %dma_wait3A_67 = tpu.memref_squeeze %dma_wait3A_66 : memref<1x128x128xf32, #tpu.memory_space<hbm>> -> memref<128x128xf32, #tpu.memory_space<hbm>>
    %dma_wait3A_68 = arith.constant 0 : i32
    %dma_wait3A_69 = arith.constant 0 : i32
    %dma_wait3A_70 = tpu.memref_slice %arg6[%dma_wait3A, %dma_wait3A_68, %dma_wait3A_69] : memref<5x128x128xf32, #tpu.memory_space<vmem>> -> memref<1x128x128xf32, #tpu.memory_space<vmem>>
    %dma_wait3A_71 = tpu.memref_squeeze %dma_wait3A_70 : memref<1x128x128xf32, #tpu.memory_space<vmem>> -> memref<128x128xf32, #tpu.memory_space<vmem>>
    tpu.wait_dma2 semaphore(%dma_wait3A_64 : memref<!tpu.dma_semaphore, #tpu.memory_space<semaphore_mem>>) src(%dma_wait3A_71 : memref<128x128xf32, #tpu.memory_space<vmem>>) dst(%dma_wait3A_67 : memref<128x128xf32, #tpu.memory_space<hbm>>)
    %dma_wait3A_72 = arith.constant 1 : i32
    %dma_wait3A_73 = arith.constant 0 : i32
    %dma_wait3A_74 = arith.constant 1 : i32
    %dma_wait3A_75 = arith.constant 0 : i32
    %dma_wait3A_76 = arith.constant 0 : i32
    %dma_wait3A_77 = tpu.memref_slice %arg6[%dma_wait3A_72, %dma_wait3A_75, %dma_wait3A_76] : memref<5x128x128xf32, #tpu.memory_space<vmem>> -> memref<1x128x128xf32, #tpu.memory_space<vmem>>
    %dma_wait3A_78 = tpu.memref_squeeze %dma_wait3A_77 : memref<1x128x128xf32, #tpu.memory_space<vmem>> -> memref<128x128xf32, #tpu.memory_space<vmem>>
    %dma_wait3A_79 = arith.constant 0 : i32
    %dma_wait3A_80 = tpu.memref_slice %arg4[%dma_wait3A_73, %mul3A_2, %dma_wait3A_79] : memref<50x4096x128xf32, #tpu.memory_space<hbm>> -> memref<1x128x128xf32, #tpu.memory_space<hbm>>
    %dma_wait3A_81 = tpu.memref_squeeze %dma_wait3A_80 : memref<1x128x128xf32, #tpu.memory_space<hbm>> -> memref<128x128xf32, #tpu.memory_space<hbm>>
    %dma_wait3A_82 = tpu.memref_slice %arg9[%dma_wait3A_74] : memref<5x!tpu.dma_semaphore, #tpu.memory_space<semaphore_mem>> -> memref<1x!tpu.dma_semaphore, #tpu.memory_space<semaphore_mem>>
    %dma_wait3A_83 = tpu.memref_squeeze %dma_wait3A_82 : memref<1x!tpu.dma_semaphore, #tpu.memory_space<semaphore_mem>> -> memref<!tpu.dma_semaphore, #tpu.memory_space<semaphore_mem>>
    %dma_wait3A_84 = arith.constant 0 : i32
    %dma_wait3A_85 = tpu.memref_slice %arg4[%dma_wait3A_73, %mul3A_2, %dma_wait3A_84] : memref<50x4096x128xf32, #tpu.memory_space<hbm>> -> memref<1x128x128xf32, #tpu.memory_space<hbm>>
    %dma_wait3A_86 = tpu.memref_squeeze %dma_wait3A_85 : memref<1x128x128xf32, #tpu.memory_space<hbm>> -> memref<128x128xf32, #tpu.memory_space<hbm>>
    %dma_wait3A_87 = arith.constant 0 : i32
    %dma_wait3A_88 = arith.constant 0 : i32
    %dma_wait3A_89 = tpu.memref_slice %arg6[%dma_wait3A_72, %dma_wait3A_87, %dma_wait3A_88] : memref<5x128x128xf32, #tpu.memory_space<vmem>> -> memref<1x128x128xf32, #tpu.memory_space<vmem>>
    %dma_wait3A_90 = tpu.memref_squeeze %dma_wait3A_89 : memref<1x128x128xf32, #tpu.memory_space<vmem>> -> memref<128x128xf32, #tpu.memory_space<vmem>>
    tpu.wait_dma2 semaphore(%dma_wait3A_83 : memref<!tpu.dma_semaphore, #tpu.memory_space<semaphore_mem>>) src(%dma_wait3A_90 : memref<128x128xf32, #tpu.memory_space<vmem>>) dst(%dma_wait3A_86 : memref<128x128xf32, #tpu.memory_space<hbm>>)
    %dma_wait3A_91 = arith.constant 2 : i32
    %dma_wait3A_92 = arith.constant 0 : i32
    %dma_wait3A_93 = arith.constant 2 : i32
    %dma_wait3A_94 = arith.constant 0 : i32
    %dma_wait3A_95 = arith.constant 0 : i32
    %dma_wait3A_96 = tpu.memref_slice %arg6[%dma_wait3A_91, %dma_wait3A_94, %dma_wait3A_95] : memref<5x128x128xf32, #tpu.memory_space<vmem>> -> memref<1x128x128xf32, #tpu.memory_space<vmem>>
    %dma_wait3A_97 = tpu.memref_squeeze %dma_wait3A_96 : memref<1x128x128xf32, #tpu.memory_space<vmem>> -> memref<128x128xf32, #tpu.memory_space<vmem>>
    %dma_wait3A_98 = arith.constant 0 : i32
    %dma_wait3A_99 = tpu.memref_slice %arg4[%dma_wait3A_92, %mul3A_2, %dma_wait3A_98] : memref<50x4096x128xf32, #tpu.memory_space<hbm>> -> memref<1x128x128xf32, #tpu.memory_space<hbm>>
    %dma_wait3A_100 = tpu.memref_squeeze %dma_wait3A_99 : memref<1x128x128xf32, #tpu.memory_space<hbm>> -> memref<128x128xf32, #tpu.memory_space<hbm>>
    %dma_wait3A_101 = tpu.memref_slice %arg9[%dma_wait3A_93] : memref<5x!tpu.dma_semaphore, #tpu.memory_space<semaphore_mem>> -> memref<1x!tpu.dma_semaphore, #tpu.memory_space<semaphore_mem>>
    %dma_wait3A_102 = tpu.memref_squeeze %dma_wait3A_101 : memref<1x!tpu.dma_semaphore, #tpu.memory_space<semaphore_mem>> -> memref<!tpu.dma_semaphore, #tpu.memory_space<semaphore_mem>>
    %dma_wait3A_103 = arith.constant 0 : i32
    %dma_wait3A_104 = tpu.memref_slice %arg4[%dma_wait3A_92, %mul3A_2, %dma_wait3A_103] : memref<50x4096x128xf32, #tpu.memory_space<hbm>> -> memref<1x128x128xf32, #tpu.memory_space<hbm>>
    %dma_wait3A_105 = tpu.memref_squeeze %dma_wait3A_104 : memref<1x128x128xf32, #tpu.memory_space<hbm>> -> memref<128x128xf32, #tpu.memory_space<hbm>>
    %dma_wait3A_106 = arith.constant 0 : i32
    %dma_wait3A_107 = arith.constant 0 : i32
    %dma_wait3A_108 = tpu.memref_slice %arg6[%dma_wait3A_91, %dma_wait3A_106, %dma_wait3A_107] : memref<5x128x128xf32, #tpu.memory_space<vmem>> -> memref<1x128x128xf32, #tpu.memory_space<vmem>>
    %dma_wait3A_109 = tpu.memref_squeeze %dma_wait3A_108 : memref<1x128x128xf32, #tpu.memory_space<vmem>> -> memref<128x128xf32, #tpu.memory_space<vmem>>
    tpu.wait_dma2 semaphore(%dma_wait3A_102 : memref<!tpu.dma_semaphore, #tpu.memory_space<semaphore_mem>>) src(%dma_wait3A_109 : memref<128x128xf32, #tpu.memory_space<vmem>>) dst(%dma_wait3A_105 : memref<128x128xf32, #tpu.memory_space<hbm>>)
    %dma_wait3A_110 = arith.constant 3 : i32
    %dma_wait3A_111 = arith.constant 0 : i32
    %dma_wait3A_112 = arith.constant 3 : i32
    %dma_wait3A_113 = arith.constant 0 : i32
    %dma_wait3A_114 = arith.constant 0 : i32
    %dma_wait3A_115 = tpu.memref_slice %arg6[%dma_wait3A_110, %dma_wait3A_113, %dma_wait3A_114] : memref<5x128x128xf32, #tpu.memory_space<vmem>> -> memref<1x128x128xf32, #tpu.memory_space<vmem>>
    %dma_wait3A_116 = tpu.memref_squeeze %dma_wait3A_115 : memref<1x128x128xf32, #tpu.memory_space<vmem>> -> memref<128x128xf32, #tpu.memory_space<vmem>>
    %dma_wait3A_117 = arith.constant 0 : i32
    %dma_wait3A_118 = tpu.memref_slice %arg4[%dma_wait3A_111, %mul3A_2, %dma_wait3A_117] : memref<50x4096x128xf32, #tpu.memory_space<hbm>> -> memref<1x128x128xf32, #tpu.memory_space<hbm>>
    %dma_wait3A_119 = tpu.memref_squeeze %dma_wait3A_118 : memref<1x128x128xf32, #tpu.memory_space<hbm>> -> memref<128x128xf32, #tpu.memory_space<hbm>>
    %dma_wait3A_120 = tpu.memref_slice %arg9[%dma_wait3A_112] : memref<5x!tpu.dma_semaphore, #tpu.memory_space<semaphore_mem>> -> memref<1x!tpu.dma_semaphore, #tpu.memory_space<semaphore_mem>>
    %dma_wait3A_121 = tpu.memref_squeeze %dma_wait3A_120 : memref<1x!tpu.dma_semaphore, #tpu.memory_space<semaphore_mem>> -> memref<!tpu.dma_semaphore, #tpu.memory_space<semaphore_mem>>
    %dma_wait3A_122 = arith.constant 0 : i32
    %dma_wait3A_123 = tpu.memref_slice %arg4[%dma_wait3A_111, %mul3A_2, %dma_wait3A_122] : memref<50x4096x128xf32, #tpu.memory_space<hbm>> -> memref<1x128x128xf32, #tpu.memory_space<hbm>>
    %dma_wait3A_124 = tpu.memref_squeeze %dma_wait3A_123 : memref<1x128x128xf32, #tpu.memory_space<hbm>> -> memref<128x128xf32, #tpu.memory_space<hbm>>
    %dma_wait3A_125 = arith.constant 0 : i32
    %dma_wait3A_126 = arith.constant 0 : i32
    %dma_wait3A_127 = tpu.memref_slice %arg6[%dma_wait3A_110, %dma_wait3A_125, %dma_wait3A_126] : memref<5x128x128xf32, #tpu.memory_space<vmem>> -> memref<1x128x128xf32, #tpu.memory_space<vmem>>
    %dma_wait3A_128 = tpu.memref_squeeze %dma_wait3A_127 : memref<1x128x128xf32, #tpu.memory_space<vmem>> -> memref<128x128xf32, #tpu.memory_space<vmem>>
    tpu.wait_dma2 semaphore(%dma_wait3A_121 : memref<!tpu.dma_semaphore, #tpu.memory_space<semaphore_mem>>) src(%dma_wait3A_128 : memref<128x128xf32, #tpu.memory_space<vmem>>) dst(%dma_wait3A_124 : memref<128x128xf32, #tpu.memory_space<hbm>>)
    %dma_wait3A_129 = arith.constant 4 : i32
    %dma_wait3A_130 = arith.constant 0 : i32
    %dma_wait3A_131 = arith.constant 4 : i32
    %dma_wait3A_132 = arith.constant 0 : i32
    %dma_wait3A_133 = arith.constant 0 : i32
    %dma_wait3A_134 = tpu.memref_slice %arg6[%dma_wait3A_129, %dma_wait3A_132, %dma_wait3A_133] : memref<5x128x128xf32, #tpu.memory_space<vmem>> -> memref<1x128x128xf32, #tpu.memory_space<vmem>>
    %dma_wait3A_135 = tpu.memref_squeeze %dma_wait3A_134 : memref<1x128x128xf32, #tpu.memory_space<vmem>> -> memref<128x128xf32, #tpu.memory_space<vmem>>
    %dma_wait3A_136 = arith.constant 0 : i32
    %dma_wait3A_137 = tpu.memref_slice %arg4[%dma_wait3A_130, %mul3A_2, %dma_wait3A_136] : memref<50x4096x128xf32, #tpu.memory_space<hbm>> -> memref<1x128x128xf32, #tpu.memory_space<hbm>>
    %dma_wait3A_138 = tpu.memref_squeeze %dma_wait3A_137 : memref<1x128x128xf32, #tpu.memory_space<hbm>> -> memref<128x128xf32, #tpu.memory_space<hbm>>
    %dma_wait3A_139 = tpu.memref_slice %arg9[%dma_wait3A_131] : memref<5x!tpu.dma_semaphore, #tpu.memory_space<semaphore_mem>> -> memref<1x!tpu.dma_semaphore, #tpu.memory_space<semaphore_mem>>
    %dma_wait3A_140 = tpu.memref_squeeze %dma_wait3A_139 : memref<1x!tpu.dma_semaphore, #tpu.memory_space<semaphore_mem>> -> memref<!tpu.dma_semaphore, #tpu.memory_space<semaphore_mem>>
    %dma_wait3A_141 = arith.constant 0 : i32
    %dma_wait3A_142 = tpu.memref_slice %arg4[%dma_wait3A_130, %mul3A_2, %dma_wait3A_141] : memref<50x4096x128xf32, #tpu.memory_space<hbm>> -> memref<1x128x128xf32, #tpu.memory_space<hbm>>
    %dma_wait3A_143 = tpu.memref_squeeze %dma_wait3A_142 : memref<1x128x128xf32, #tpu.memory_space<hbm>> -> memref<128x128xf32, #tpu.memory_space<hbm>>
    %dma_wait3A_144 = arith.constant 0 : i32
    %dma_wait3A_145 = arith.constant 0 : i32
    %dma_wait3A_146 = tpu.memref_slice %arg6[%dma_wait3A_129, %dma_wait3A_144, %dma_wait3A_145] : memref<5x128x128xf32, #tpu.memory_space<vmem>> -> memref<1x128x128xf32, #tpu.memory_space<vmem>>
    %dma_wait3A_147 = tpu.memref_squeeze %dma_wait3A_146 : memref<1x128x128xf32, #tpu.memory_space<vmem>> -> memref<128x128xf32, #tpu.memory_space<vmem>>
    tpu.wait_dma2 semaphore(%dma_wait3A_140 : memref<!tpu.dma_semaphore, #tpu.memory_space<semaphore_mem>>) src(%dma_wait3A_147 : memref<128x128xf32, #tpu.memory_space<vmem>>) dst(%dma_wait3A_143 : memref<128x128xf32, #tpu.memory_space<hbm>>)
    return
  }
}

module attributes {stable_mosaic.version = 14 : i64} {
  func.func @_transform_body(%arg0: memref<1000x128xf32, #tpu.memory_space<vmem>>, %arg1: memref<128x128xf32, #tpu.memory_space<vmem>>, %arg2: memref<1x128xf32, #tpu.memory_space<vmem>>, %arg3: memref<1000x128xf32, #tpu.memory_space<vmem>>) attributes {dimension_semantics = [], scalar_prefetch = 0 : i64, scratch_operands = 0 : i64, tpu.core_type = #tpu.core_type<tc>} {
    %get3A = arith.constant 0 : index
    %get3A_0 = arith.constant 0 : index
    %get3A_1 = vector.load %arg0[%get3A, %get3A_0] : memref<1000x128xf32, #tpu.memory_space<vmem>>, vector<1000x128xf32>
    %get3A_2 = arith.constant 0 : index
    %get3A_3 = arith.constant 0 : index
    %get3A_4 = vector.load %arg1[%get3A_2, %get3A_3] : memref<128x128xf32, #tpu.memory_space<vmem>>, vector<128x128xf32>
    %dot_general3A = arith.constant dense<0.000000e+00> : vector<1000x128xf32>
    %dot_general3A_5 = tpu.matmul %get3A_1, %get3A_4, %dot_general3A {dimension_numbers = #tpu.dot_dimension_numbers<[1], [1], [0], [0], [0, 0, 1, 0], [], []>, transpose_lhs_hint = false} : vector<1000x128xf32>, vector<128x128xf32>, vector<1000x128xf32> -> vector<1000x128xf32>
    %get3A_6 = arith.constant 0 : index
    %get3A_7 = arith.constant 0 : index
    %get3A_8 = vector.load %arg2[%get3A_6, %get3A_7] : memref<1x128xf32, #tpu.memory_space<vmem>>, vector<1x128xf32>
    %add3A = vector.broadcast %get3A_8 : vector<1x128xf32> to vector<1000x128xf32>
    %add3A_9 = arith.addf %dot_general3A_5, %add3A : vector<1000x128xf32>
    %swap3A = arith.constant 0 : index
    %swap3A_10 = arith.constant 0 : index
    %swap3A_11 = vector.load %arg3[%swap3A, %swap3A_10] : memref<1000x128xf32, #tpu.memory_space<vmem>>, vector<1000x128xf32>
    tpu.vector_store %arg3[%swap3A, %swap3A_10], %add3A_9 {strides = array<i32>} : memref<1000x128xf32, #tpu.memory_space<vmem>>, vector<1000x128xf32>,
    return
  }
}

</mosaic_0001>

<sc_bundles>
// kernel: kernel.4.cloned.1.call-start
scs
__scs_entry_jumppad:
0x0: {  	(pc) =	sbr.rel $0x88, $3  }
0x1: {  	(tag) =	ssettag $0x0;
	lr =	simm.s32 $0x1  }
0x2: {  	[smem:$0x3F9D] =	sst lr;
	_ =	strace $0xD0000000  }
0x3: {  	_ = 	snop  }
0x4: {  	_ = 	snop  }
0x5: {  	_ = 	snop  }
0x6: {  	_ = 	snop  }
0x7: {  	_ = 	snop  }
__scs_overlays_trampoline_lowered:
0x8: {  	[smem:$0x3FAC] =	sst s0  }
0x9: {  	[smem:$0x3FAD] =	sst s1  }
0xa: {  	[smem:$0x3FAE] =	sst s2  }
0xb: {  	[smem:$0x3FAF] =	sst s3  }
0xc: {  	[smem:$0x3FB0] =	sst s4  }
0xd: {  	[smem:$0x3FB1] =	sst s5  }
0xe: {  	[smem:$0x3FB2] =	sst s6  }
0xf: {  	[smem:$0x3FB3] =	sst s7  }
0x10: {  	[smem:$0x3FB4] =	sst s8  }
0x11: {  	[smem:$0x3FB5] =	sst s9;
	s0 =	simm.s32 @!p0 $0x0  }
0x12: {  	s1 =	sld [smem:$0x3F9B];
	s0 =	simm.s32 @p0 $0x1  }
0x13: {  	[smem:$0x3FB6] =	sst s0;
	s0 =	simm.s32 @!p1 $0x0  }
0x14: {  	s2 =	sld [smem:$0x3F9A];
	s0 =	simm.s32 @p1 $0x1  }
0x15: {  	[smem:$0x3FB7] =	sst s0;
	s0 =	simm.s32 @!p2 $0x0  }
0x16: {  	s3 =	sld [smem:$0x3FDB];
	s0 =	simm.s32 @p2 $0x1  }
0x17: {  	s4 =	simm.s32 $0x1BF5;
	[smem:$0x3FB9] =	sst s0  }
0x18: {  	s0 =	sld [smem:$0x3F9C];
	_ =	swait.ge [sflag:s4], $0x0  }
0x19: {  	s7 =	sld [smem:$0x3F9D]  }
0x1a: {  	s8 =	sadd.s32 $0xFFFFE003, lr  }
0x1b: {  	s9 =	sadd.s32 $0xFFFFFEF7, lr;
	s5 =	simm.s32 $0xFFFFFFFF;
	p2 =	slt.u32 s8, $0xFFFFF086  }
0x1c: {  	p1 =	slt.u32 s9, $0xF7A;
	s5 =	simm.s32 @!p2 $0x0  }
0x1d: {  	s5 =	simm.s32 @p1 $0x1;
	p0 =	seq.s32 s7, s2  }
0x1e: {  	s7 =	smul.u32 @!p0 $0xF7A, s2;
	p2 =	seq.s32 @!p0 s5, $0x0  }
0x1f: {  	s9 =	smul.u32 $0xF7A, s1;
	s8 =	simm.s32 @!p0 $0x1BF5;
	p2 =	por !p2, p0  }
0x20: {  	[sflag:s8] =	ssyncset.s32 @!p0 $0xFFFFF086;
	s6 =	sadd.s32 @!p0 s3, s7;
	s7 =	simm.s32 @!p0 $0x108  }
0x21: {  	s3 =	sadd.s32 s3, s9;
	s6 =	sadd.s32 @!p0 $0x88, s6;
	s7 =	simm.s32 @p2 $0x1082  }
0x22: {  	[simem:s7], [sflag:s8] =	dma.local @!p0 [hbm:s6], $0xF7A  }
0x23: {  	s9 =	sor.u32 $0xD0000000, s2;
	s6 =	simm.s32 $0x108;
	_ =	swait.ge @!p0 [sflag:s8], $0x0  }
0x24: {  	s3 =	sadd.s32 $0x88, s3;
	s6 =	simm.s32 @!p1 $0x1082;
	[sflag:s4] =	ssyncset.s32 $0xFFFFF086  }
0x25: {  	[simem:s6], [sflag:s4] =	dma.local [hbm:s3], $0xF7A  }
0x26: {  	[smem:$0x3F9D] =	sst s1;
	(tag) =	ssettag s2;
	_ =	strace s9  }
0x27: {  	s1 =	sld [smem:$0x3FAD]  }
0x28: {  	s2 =	sld [smem:$0x3FAE]  }
0x29: {  	s4 =	sld [smem:$0x3FB0]  }
0x2a: {  	p0 =	seq.s32 s5, $0x0;
	s5 =	sld [smem:$0x3FB1]  }
0x2b: {  	s6 =	sld [smem:$0x3FB2]  }
0x2c: {  	s7 =	sld [smem:$0x3FB3]  }
0x2d: {  	s3 =	simm.s32 $0x108;
	s8 =	sld [smem:$0x3FB4]  }
0x2e: {  	s3 =	simm.s32 @!p0 $0x1082;
	s9 =	sld [smem:$0x3FB5]  }
0x2f: {  	lr =	sadd.s32 s0, s3;
	s0 =	sld [smem:$0x3FAC]  }
0x30: {  	s3 =	sld [smem:$0x3FAF]  }
0x31: {  	[smem:$0x3FB8] =	sst s10  }
0x32: {  	s10 =	sld [smem:$0x3FB6];
	_ =	sdelay $0x3  }
0x33: {  	p0 =	seq.s32 s10, $0x1;
	s10 =	sld [smem:$0x3FB8];
	_ =	sdelay $0x3  }
0x34: {  	[smem:$0x3FB8] =	sst s10  }
0x35: {  	s10 =	sld [smem:$0x3FB7];
	_ =	sdelay $0x3  }
0x36: {  	p1 =	seq.s32 s10, $0x1;
	s10 =	sld [smem:$0x3FB8];
	_ =	sdelay $0x3  }
0x37: {  	[smem:$0x3FB8] =	sst s10  }
0x38: {  	s10 =	sld [smem:$0x3FB9]  }
0x39: {  	_ = 	snop;
	(pc) =	sbr.ind lr, $3  }
0x3a: {  	_ = 	snop  }
0x3b: {  	_ = 	snop  }
0x3c: {  	p2 =	seq.s32 s10, $0x1;
	s10 =	sld [smem:$0x3FB8]  }
0x3d: {  	_ =	shalt  }
0x3e: {  	_ =	shalt  }
0x3f: {  	_ =	shalt  }
0x40: {  	_ =	shalt  }
0x41: {  	_ =	shalt  }
0x42: {  	_ =	shalt  }
0x43: {  	_ =	shalt  }
0x44: {  	_ =	shalt  }
0x45: {  	_ =	shalt  }
0x46: {  	_ =	shalt  }
0x47: {  	_ =	shalt  }
0x48: {  	_ =	shalt  }
0x49: {  	_ =	shalt  }
0x4a: {  	_ =	shalt  }
0x4b: {  	_ =	shalt  }
0x4c: {  	_ =	shalt  }
0x4d: {  	_ =	shalt  }
0x4e: {  	_ =	shalt  }
0x4f: {  	_ =	shalt  }
0x50: {  	_ =	shalt  }
0x51: {  	_ =	shalt  }
0x52: {  	_ =	shalt  }
0x53: {  	_ =	shalt  }
0x54: {  	_ =	shalt  }
0x55: {  	_ =	shalt  }
0x56: {  	_ =	shalt  }
0x57: {  	_ =	shalt  }
0x58: {  	_ =	shalt  }
0x59: {  	_ =	shalt  }
0x5a: {  	_ =	shalt  }
0x5b: {  	_ =	shalt  }
0x5c: {  	_ =	shalt  }
0x5d: {  	_ =	shalt  }
0x5e: {  	_ =	shalt  }
0x5f: {  	_ =	shalt  }
0x60: {  	_ =	shalt  }
0x61: {  	_ =	shalt  }
0x62: {  	_ =	shalt  }
0x63: {  	_ =	shalt  }
0x64: {  	_ =	shalt  }
0x65: {  	_ =	shalt  }
0x66: {  	_ =	shalt  }
0x67: {  	_ =	shalt  }
0x68: {  	_ =	shalt  }
0x69: {  	_ =	shalt  }
0x6a: {  	_ =	shalt  }
0x6b: {  	_ =	shalt  }
0x6c: {  	_ =	shalt  }
0x6d: {  	_ =	shalt  }
0x6e: {  	_ =	shalt  }
0x6f: {  	_ =	shalt  }
0x70: {  	_ =	shalt  }
0x71: {  	_ =	shalt  }
0x72: {  	_ =	shalt  }
0x73: {  	_ =	shalt  }
0x74: {  	_ =	shalt  }
0x75: {  	_ =	shalt  }
0x76: {  	_ =	shalt  }
0x77: {  	_ =	shalt  }
0x78: {  	_ =	shalt  }
0x79: {  	_ =	shalt  }
0x7a: {  	_ =	shalt  }
0x7b: {  	_ =	shalt  }
0x7c: {  	_ =	shalt  }
0x7d: {  	_ =	shalt  }
0x7e: {  	_ =	shalt  }
0x7f: {  	_ =	shalt  }
0x80: {  	_ =	shalt  }
0x81: {  	_ =	shalt  }
0x82: {  	_ =	shalt  }
0x83: {  	_ =	shalt  }
0x84: {  	_ =	shalt  }
0x85: {  	_ =	shalt  }
0x86: {  	_ =	shalt  }
0x87: {  	_ =	shalt  }
.Lfunc_end0:
.L_simem_size_0:
called_computation_lowered:
.L_overlay_start_0:
0x88: {  	s2 =	sld [smem:$0x3FD9]  }
0x89: {  	s3 =	sld [smem:$0x3FFE];
	_ =	sdelay $0x1  }
0x8a: {  	s1 =	srdreg.scid  }
0x8b: {  	s0 =	sand.u32 $0x1, s1  }
0x8c: {  	s17 =	sshll.u32 s0, $0xA;
	s2 =	sadd.s32 s3, s2  }
0x8d: {  	s2 =	sadd.s32 s2, s17  }
0x8e: {  	[smem:$0x3FC4] =	sst s2  }
0x8f: {  	_ = 	snop  }
0x90: {  	s2 =	sld [smem:$0x3FC9]  }
0x91: {  	s18 =	sld [smem:$0x3FD0];
	(tm) =	ssettm $0x1  }
0x92: {  	s4 =	sld [smem:$0x3FFB];
	_ =	sdelay $0x3  }
0x93: {  	_ =	strace s4  }
0x94: {  	s4 =	sld [smem:$0x3FFC];
	_ =	sdelay $0x3  }
0x95: {  	_ =	strace s4  }
0x96: {  	s4 =	sld [smem:$0x3FFD];
	_ =	sdelay $0x3  }
0x97: {  	_ =	strace s4  }
0x98: {  	_ =	strace $0x8FFFFFFF  }
0x99: {  	s19 =	sld [smem:$0x3FDB];
	_ =	sdelay $0x1  }
0x9a: {  	s5 =	simm.s32 $_scs_section_size  }
0x9b: {  	s6 =	simm.s32 $_size__tile_overlayer_lowered;
	s7 =	simm.s32 $_tile_overlayer_lowered  }
0x9c: {  	s22 =	simm.s32 $0x1BFF;
	s21 =	sshll.u32 s7, $0x1;
	s4 =	sadd.s32 s5, s19  }
0x9d: {  	s8 =	simm.s32 $0x0;
	s20 =	sshll.u32 s6, $0x1;
	s6 =	sadd.s32 s21, s4  }
0x9e: {  	[timem:s8], [sflag:s22] =	dma.local [hbm:s6], s20  }
0x9f: {  	_ =	swait.ge [sflag:s22], s20  }
0xa0: {  	s5 =	ssub.s32 $0x0, s20;
	[sflag:s22] =	ssyncset.done $0x0  }
0xa1: {  	[sflag:s22] =	ssyncadd.s32 s5;
	_ =	sdelay $0x1  }
0xa2: {  	s23 =	simm.s32 $0x1B8B  }
0xa3: {  	_ =	swait.ge [sflag:s23], $0x1  }
0xa4: {  	[sflag:s23] =	ssyncset.done $0x0  }
0xa5: {  	s25 =	simm.s32 $0x1B8E;
	s24 =	sld [smem:$0x3FFE];
	[sflag:s23] =	ssyncadd.s32 $0xFFFFFFFF  }
0xa6: {  	s26 =	simm.s32 $execute0_lowered;
	[smem:$0x3FD2] =	sst s25  }
0xa7: {  	s6 =	sshll.u32 s26, $0x1;
	_ =	strace $0x80000046;
	[dreg:$0x1] =	wrdreg $0xFFFFFFFF  }
0xa8: {  	s28 =	simm.s32 $_size_execute0_lowered;
	s4 =	sadd.s32 s4, s6;
	[dreg:$0x0] =	wrdreg $0x0  }
0xa9: {  	s6 =	sshll.u32 s28, $0x1;
	[dreg:$0x2] =	wrdreg s4  }
0xaa: {  	[dreg:$0x3] =	wrdreg s6  }
0xab: {  	[dreg:$0x4] =	wrdreg $0xC0  }
0xac: {  	_ =	task [dreg:s8], $0x5FFFF  }
0xad: {  	[dreg:$0x1] =	wrdreg $0xFFFFFFFF  }
0xae: {  	[dreg:$0x0] =	wrdreg $0x60  }
0xaf: {  	[dreg:$0x2] =	wrdreg s2  }
0xb0: {  	[dreg:$0x3] =	wrdreg s24  }
0xb1: {  	[dreg:$0x4] =	wrdreg s18  }
0xb2: {  	[dreg:$0x5] =	wrdreg $0x15C000  }
0xb3: {  	[dreg:$0x6] =	wrdreg $0x9  }
0xb4: {  	_ =	task.clear_ibuf [dreg:s8], $0x7FFFF;
	_ =	strace $0x90000046  }
0xb5: {  	s29 =	simm.s32 $0x9;
	_ =	strace $0x80000048  }
0xb6: {  	_ =	swait.ge [sflag:s29], $0x1  }
0xb7: {  	[sflag:s29] =	ssyncadd.s32 $0xFFFFFFFF  }
0xb8: {  	_ =	strace $0x90000048  }
0xb9: {  	_ =	sfence  }
0xba: {  	s30 =	sld [smem:$0x0];
	_ =	sdelay $0x2  }
0xbb: {  	s31 =	sshll.u32 s1, $0xD;
	s1 =	sshrl.u32 s1, $0x2  }
0xbc: {  	s3 =	sand.u32 $0x4000, s31;
	s1 =	sadd.s32 s1, s30  }
0xbd: {  	s0 =	sor.u32 s3, s0;
	s1 =	sshll.u32 s1, $0x11  }
0xbe: {  	s0 =	sor.u32 s1, s0  }
0xbf: {  	s0 =	sadd.s32 $0x8F2B, s0  }
0xc0: {  	[sflag:s0] =	ssyncadd.remote.s32 $0x1  }
0xc1: {  	_ =	sfence.sel $0xFFFF  }
0xc2: {  	[dreg:$0x0] =	wrdreg $0xFFFFFFFF;
	(pc) =	sbr.abs _section_cstart, $3  }
0xc3: {  	[dreg:$0x1] =	wrdreg $0xFFFFFFFF  }
0xc4: {  	_ =	task.clear_ibuf [dreg:s8], $0x2FFFF;
	_ =	strace $0x9FFFFFFF  }
0xc5: {  	(tm) =	ssettm $0x7FFFFFFF  }
tec
execute0_lowered:
.L_overlay_start_1:
0x0: {  	(tag) =	ssettag $0x1  }
0x1: {  	s0 =	rddreg [dreg:$0x0]  }
0x2: {  	s3 =	rddreg [dreg:$0x1]  }
0x3: {  	s4 =	rddreg [dreg:$0x2]  }
0x4: {  	s1 =	rddreg [dreg:$0x3];
	s2 =	simm.s32 $0x0  }
0x5: {  	s5 =	srdreg.scid;
	s7 =	stileid.u32;
	s28 =	simm.s32 $0x4  }
0x6: {  	s29 =	simm.s32 $0x5;
	s30 =	simm.s32 $0x6;
	s31 =	simm.s32 $0x7  }
0x7: {  	s12 =	simm.s32 $0x9;
	s13 =	simm.s32 $0xA;
	[smem:$0x7FF] =	sst s2  }
0x8: {  	s5 =	sand.u32 $0x1, s5;
	s3 =	sadd.s32 $0xC00, s3;
	s16 =	sshll.u32 s7, $0xF  }
0x9: {  	s9 =	sshll.u32 s7, $0x8;
	p0 =	sne.s32 s7, $0x0;
	_ =	strace $0x80000047  }
0xa: {  	s6 =	ssub.s32 $0x2, s5;
	s8 =	sshll.u32 s5, $0xE;
	s5 =	sshll.u32 s5, $0x7  }
0xb: {  	[dreg:$0x5] =	wrdreg s3;
	s15 =	sshrl.u32 s6, $0x1;
	s5 =	sor.u32 s5, s9  }
0xc: {  	s3 =	ssub.s32 s6, s15;
	s6 =	sor.u32 s8, s16;
	s10 =	sadd.s32 s0, s5  }
0xd: {  	s16 =	simm.s32 $0xB;
	s15 =	simm.s32 $0x0;
	s8 =	sor.u32 $0x100000, s6  }
0xe: {  	s17 =	sor.u32 $0x80000, s6;
	s3 =	smax.u32 s3, $0x1;
	s21 =	sshrl.u32 s6, $0x3  }
0xf: {  	s22 =	sor.u32 $0x200000, s6;
	s23 =	sor.u32 $0x180000, s6;
	[dreg:$0x6] =	wrdreg s10  }
0x10: {  	s26 =	sadd.s32 $0x6000, s10;
	s18 =	sshrl.u32 s8, $0x3;
	s19 =	sshrl.u32 s17, $0x3  }
0x11: {  	[dreg:$0x7] =	wrdreg s3;
	s24 =	sshrl.u32 s22, $0x3;
	s5 =	sshrl.u32 s23, $0x3  }
0x12: {  	[dreg:$0xe] =	wrdreg s26;
	s17 =	simm.s32 $0x80;
	s22 =	simm.s32 $0x1  }
0x13: {  	s23 =	simm.s32 $0xDC00;
	s26 =	simm.s32 $0x3;
	s0 =	sadd.s32 s18, s4  }
0x14: {  	s20 =	sadd.s32 s19, s4;
	s25 =	sadd.s32 s5, s4;
	[dreg:$0x8] =	wrdreg s0  }
.Ltmp0:
0x15: {  	s18 =	simm.s32 $0x1C00;
	[dreg:$0x9] =	wrdreg s20;
	(pc) =	sbr.rel .LBB2_1-.Ltmp0, $4  }
0x16: {  	s19 =	simm.s32 $0x5C00;
	s0 =	sadd.s32 s21, s4;
	[dreg:$0xc] =	wrdreg s25  }
0x17: {  	s21 =	simm.s32 $0x9C00;
	[dreg:$0xa] =	wrdreg s0;
	s0 =	sadd.s32 s24, s4  }
0x18: {  	s25 =	simm.s32 $0x11C00;
	[dreg:$0xb] =	wrdreg s0;
	s0 =	sshrl.u32 @!p0 s1, $0x3  }
0x19: {  	s24 =	simm.s32 $0x2;
	[dreg:$0xd] =	wrdreg s0;
	s0 =	simm.s32 $0x8  }
.LBB2_4:
0x1a: {  	_ =	swait.ge [sflag:s30], $0x4000  }
0x1b: {  	[sflag:s30] =	ssyncset.done $0x0  }
0x1c: {  	[sflag:s30] =	ssyncadd.s32 $0xFFFFC000  }
0x1d: {  	_ =	swait.ge [sflag:s31], $0x4000  }
0x1e: {  	[sflag:s31] =	ssyncset.done $0x0  }
0x1f: {  	[sflag:s31] =	ssyncadd.s32 $0xFFFFC000  }
0x20: {  	_ =	swait.ge [sflag:s0], $0x4000  }
0x21: {  	[sflag:s0] =	ssyncset.done $0x0  }
0x22: {  	[sflag:s0] =	ssyncadd.s32 $0xFFFFC000  }
0x23: {  	_ =	swait.ge [sflag:s12], $0x4000  }
0x24: {  	[sflag:s12] =	ssyncset.done $0x0  }
0x25: {  	[sflag:s12] =	ssyncadd.s32 $0xFFFFC000  }
0x26: {  	_ =	swait.ge [sflag:s13], $0x4000  }
0x27: {  	s15 =	sadd.s32 $0x1, s15;
	s3 =	rddreg [dreg:$0x7]  }
0x28: {  	p1 =	sne.s32 s15, s3  }
.Ltmp1:
0x29: {  	_ = 	snop;
	(pc) =	sbr.rel @!p1 .LBB2_5-.Ltmp1, $3  }
0x2a: {  	_ =	sdelay $0x1  }
0x2b: {  	[sflag:s13] =	ssyncset.done $0x0  }
0x2c: {  	[sflag:s13] =	ssyncadd.s32 $0xFFFFC000  }
.LBB2_1:
0x2d: {  	s3 =	rddreg [dreg:$0x5]  }
0x2e: {  	s4 =	simm.s32 @!p0 $0x1C0B;
	s5 =	rddreg [dreg:$0xd]  }
0x2f: {  	[spmem:s5], [sflag:s4] =	dma.local @!p0 [hbm:s3], $0x3E80  }
0x30: {  	s4 =	simm.s32 @!p0 $0xB  }
0x31: {  	_ =	swait.ge @!p0 [sflag:s4], $0x3E80  }
0x32: {  	s9 =	simm.s32 $0x400;
	[sflag:s4] =	ssyncset.done @!p0 $0x0  }
0x33: {  	s10 =	simm.s32 $0x8000;
	s8 =	rddreg [dreg:$0x6];
	[sflag:s4] =	ssyncadd.s32 @!p0 $0xFFFFC180  }
0x34: {  	[tilespmem:s2], [sflag:$0xB] =	stream.strided.gather [hbm4b:s8+s9], $0x1800, s10, s9, $0x38;
	[tilespmem:$0x17B40] =	vst v63  }
0x35: {  	s14 =	simm.s32 $0x1800;
	s11 =	rddreg [dreg:$0xe]  }
0x36: {  	[tilespmem:s14], [sflag:$0xB] =	stream.linear.gather [hbm4b:s11+s2], $0x100, $0x38;
	[tilespmem:$0x17B40] =	vst v63  }
0x37: {  	_ =	swait.ge [sflag:s16], $0x1900  }
0x38: {  	[sflag:s16] =	ssyncset.done $0x0  }
0x39: {  	[sflag:s16] =	ssyncadd.s32 $0xFFFFE700  }
0x3a: {  	[bflag:$0x0] =	sbarrier.arrive $0xFFFF  }
0x3b: {  	[tilespmem:s18], [sflag:$0x1] =	stream.indirect.gather [spmem:s1], $0x80, s2, s17, $0xb8;
	[tilespmem:$0x17B40] =	vst v63  }
0x3c: {  	s10 =	rddreg [dreg:$0xc]  }
0x3d: {  	s9 =	rddreg [dreg:$0xb]  }
0x3e: {  	s8 =	rddreg [dreg:$0xa]  }
0x3f: {  	s7 =	rddreg [dreg:$0x9]  }
0x40: {  	[tilespmem:s19], [sflag:$0x2] =	stream.indirect.gather [spmem:s1], $0x80, s17, s17, $0xb8;
	[tilespmem:$0x17B40] =	vst v63  }
0x41: {  	s20 =	simm.s32 $0x100;
	s4 =	simm.s32 $0x0;
	s6 =	rddreg [dreg:$0x8]  }
0x42: {  	[tilespmem:s21], [sflag:$0x3] =	stream.indirect.gather [spmem:s1], $0x80, s20, s17, $0xb8;
	[tilespmem:$0x17B40] =	vst v63  }
.LBB2_2:
0x43: {  	_ =	swait.ge [sflag:s22], $0x4000  }
0x44: {  	p1 =	seq.s32 s4, $0x0;
	[sflag:s22] =	ssyncset.done $0x0  }
0x45: {  	s3 =	simm.s32 @!p1 $0x9;
	[sflag:s22] =	ssyncadd.s32 $0xFFFFC000  }
0x46: {  	[hbm4b:s8+s2] =	stream.linear.scatter [tilespmem:s18], [sflag:$0x6], $0x4000, $0x38;
	[tilespmem:$0x17B40] =	vst v63  }
0x47: {  	_ =	swait.ge @!p1 [sflag:s3], $0x4000  }
0x48: {  	s5 =	sshra.s32 s4, $0x2;
	[sflag:s3] =	ssyncset.done @!p1 $0x0  }
0x49: {  	s14 =	sadd.s32 $0x180, s5;
	[sflag:s3] =	ssyncadd.s32 @!p1 $0xFFFFC000  }
0x4a: {  	[tilespmem:s23], [sflag:$0x4] =	stream.indirect.gather [spmem:s1], $0x80, s14, s17, $0xb8;
	[tilespmem:$0x17B40] =	vst v63  }
0x4b: {  	_ =	swait.ge [sflag:s24], $0x4000  }
0x4c: {  	[sflag:s24] =	ssyncset.done $0x0  }
0x4d: {  	s3 =	simm.s32 @!p1 $0xA;
	[sflag:s24] =	ssyncadd.s32 $0xFFFFC000  }
0x4e: {  	[hbm4b:s7+s2] =	stream.linear.scatter [tilespmem:s19], [sflag:$0x7], $0x4000, $0x38;
	[tilespmem:$0x17B40] =	vst v63  }
0x4f: {  	_ =	swait.ge @!p1 [sflag:s3], $0x4000  }
0x50: {  	[sflag:s3] =	ssyncset.done @!p1 $0x0  }
0x51: {  	s20 =	sadd.s32 $0x200, s5;
	[sflag:s3] =	ssyncadd.s32 @!p1 $0xFFFFC000  }
0x52: {  	[tilespmem:s25], [sflag:$0x5] =	stream.indirect.gather [spmem:s1], $0x80, s20, s17, $0xb8;
	[tilespmem:$0x17B40] =	vst v63  }
0x53: {  	_ =	swait.ge [sflag:s26], $0x4000  }
0x54: {  	p1 =	seq.s32 s4, $0x5A00;
	[sflag:s26] =	ssyncset.done $0x0  }
0x55: {  	s3 =	simm.s32 @!p1 $0x6;
	[sflag:s26] =	ssyncadd.s32 $0xFFFFC000  }
0x56: {  	[hbm4b:s6+s2] =	stream.linear.scatter [tilespmem:s21], [sflag:$0x8], $0x4000, $0x38;
	[tilespmem:$0x17B40] =	vst v63  }
0x57: {  	_ =	swait.ge @!p1 [sflag:s3], $0x4000  }
0x58: {  	[sflag:s3] =	ssyncset.done @!p1 $0x0  }
0x59: {  	[sflag:s3] =	ssyncadd.s32 @!p1 $0xFFFFC000;
	s3 =	sshra.s32 @!p1 s4, $0x2  }
0x5a: {  	s11 =	simm.s32 @!p1 $0x80;
	s14 =	simm.s32 @!p1 $0x1C00;
	s20 =	sadd.s32 @!p1 $0x280, s3  }
0x5b: {  	[tilespmem:s14], [sflag:$0x1] =	stream.indirect.gather @!p1 [spmem:s1], $0x80, s20, s11, $0xb8;
	[tilespmem:$0x17B40] =	vst v63  }
0x5c: {  	_ =	swait.ge [sflag:s28], $0x4000  }
0x5d: {  	[sflag:s28] =	ssyncset.done $0x0  }
0x5e: {  	s14 =	simm.s32 @!p1 $0x7;
	[sflag:s28] =	ssyncadd.s32 $0xFFFFC000  }
0x5f: {  	[hbm4b:s10+s2] =	stream.linear.scatter [tilespmem:s23], [sflag:$0x9], $0x4000, $0x38;
	[tilespmem:$0x17B40] =	vst v63  }
0x60: {  	_ =	swait.ge @!p1 [sflag:s14], $0x4000  }
0x61: {  	[sflag:s14] =	ssyncset.done @!p1 $0x0  }
0x62: {  	s3 =	sadd.s32 @!p1 $0x300, s3;
	[sflag:s14] =	ssyncadd.s32 @!p1 $0xFFFFC000;
	s14 =	simm.s32 @!p1 $0x5C00  }
0x63: {  	[tilespmem:s14], [sflag:$0x2] =	stream.indirect.gather @!p1 [spmem:s1], $0x80, s3, s11, $0xb8;
	[tilespmem:$0x17B40] =	vst v63  }
.Ltmp2:
0x64: {  	_ = 	snop;
	(pc) =	sbr.rel @p1 .LBB2_4-.Ltmp2, $4  }
0x65: {  	_ =	swait.ge [sflag:s29], $0x4000  }
0x66: {  	[sflag:s29] =	ssyncset.done $0x0  }
0x67: {  	[sflag:s29] =	ssyncadd.s32 $0xFFFFC000  }
0x68: {  	[hbm4b:s9+s2] =	stream.linear.scatter [tilespmem:s25], [sflag:$0xA], $0x4000, $0x38;
	[tilespmem:$0x17B40] =	vst v63  }
.Ltmp3:
0x69: {  	_ =	swait.ge [sflag:s0], $0x4000;
	(pc) =	sbr.rel .LBB2_2-.Ltmp3, $4  }
0x6a: {  	s3 =	sadd.s32 $0x380, s5;
	s4 =	sadd.s32 $0xA00, s4;
	s6 =	sadd.s32 $0x50000, s6  }
0x6b: {  	s7 =	sadd.s32 $0x50000, s7;
	s8 =	sadd.s32 $0x50000, s8;
	[sflag:s0] =	ssyncset.done $0x0  }
0x6c: {  	s9 =	sadd.s32 $0x50000, s9;
	s10 =	sadd.s32 $0x50000, s10;
	[sflag:s0] =	ssyncadd.s32 $0xFFFFC000  }
0x6d: {  	[tilespmem:s21], [sflag:$0x3] =	stream.indirect.gather [spmem:s1], $0x80, s3, s17, $0xb8;
	[tilespmem:$0x17B40] =	vst v63  }
.LBB2_5:
0x6e: {  	_ =	sfence.sel $0x180000  }
0x6f: {  	[bflag:$0x0] =	sbarrier.arrive $0xFFFF  }
0x70: {  	_ =	strace $0x90000047  }
0x71: {  	[bflag:$0x2] =	sbarrier.arrive $0xFFFF  }
0x72: {  	s0 =	rddreg [dreg:$0x4]  }
0x73: {  	s0 =	sadd.s32 @!p0 $0x100000, s0  }
0x74: {  	[sflag:s0] =	ssyncadd.tile.s32 @!p0 $0x1;
	_ =	shalt  }
.Lfunc_end2:
_tile_overlayer_lowered:
.L_overlay_start_2:
0x75: {  	(tag) =	ssettag $0x2  }
0x76: {  	s0 =	rddreg [dreg:$0x0];
	s2 =	stileid.u32  }
0x77: {  	s1 =	rddreg [dreg:$0x1];
	p0 =	sne.s32 s2, $0x0  }
0x78: {  	s3 =	rddreg [dreg:$0x2];
	[bflag:$0x3] =	sbarrier.arrive $0xFFFF;
	s2 =	simm.s32 @!p0 $0x1C0B  }
0x79: {  	[timem:s3], [sflag:s2] =	dma.local @!p0 [hbm:s0], s1  }
0x7a: {  	s0 =	simm.s32 @!p0 $0xB  }
0x7b: {  	_ =	swait.ge @!p0 [sflag:s0], s1  }
0x7c: {  	s1 =	ssub.s32 @!p0 $0x0, s1;
	[sflag:s0] =	ssyncset.done @!p0 $0x0  }
0x7d: {  	[sflag:s0] =	ssyncadd.s32 @!p0 s1  }
0x7e: {  	[bflag:$0x3] =	sbarrier.arrive $0xFFFF  }
0x7f: {  	_ =	shalt  }

</sc_bundles>
